<compile_context>
chip_gen: v7x
topology: tpu7x:2x2x1
jax: 0.10.2.dev20260603
libtpu: 0.0.44.dev20260713+nightly
codegen_flags: <defaults>
</compile_context>

<pallas_src>
import jax
import jax.numpy as jnp
from jax import lax
from jax.experimental import pallas as pl
from jax.experimental.pallas import tpu as pltpu
from jax.experimental.pallas import tpu_sc as plsc

_B, _C, _H, _W = 16, 768, 8, 256
_NCIR = 4
_L = 16
_NW = 32
_CPW = _C // _NW
_NSLOT = 3
_WL = _W // _L
_BH = _B // 2
_NU = _CPW


def _sc_body(x_hbm, circ_hbm, out_hbm, xb0, xb1, xb2, circ_v,
             sem_in, sem_o0, sem_o1, sem_o2):
    wid = lax.axis_index("s") * 2 + lax.axis_index("c")
    c0 = wid * _CPW
    bufs = [xb0, xb1, xb2]
    osems = [sem_o0, sem_o1, sem_o2]
    for k in range(_NCIR):
        pltpu.sync_copy(circ_hbm.at[pl.ds((k * _C + c0) * _L, _CPW * _L)],
                        circ_v.at[pl.ds(k * _CPW * _L, _CPW * _L)])

    def unit(ui):
        pi = lax.shift_right_logical(ui, 1)
        b0 = lax.bitwise_and(ui, 1) * _BH
        return pi, b0

    def fire_in(ui, slot):
        pi, b0 = unit(ui)
        pltpu.async_copy(
            x_hbm.at[pl.ds(b0, _BH), pl.ds(c0 + 2 * pi, 2)],
            bufs[slot], sem_in)

    def wait_in(slot):
        pltpu.make_async_copy(
            x_hbm.at[pl.ds(0, _BH), pl.ds(c0, 2)],
            bufs[slot], sem_in).wait()

    def fire_out(ui, slot):
        pi, b0 = unit(ui)
        pltpu.async_copy(
            bufs[slot],
            out_hbm.at[pl.ds(b0, _BH), pl.ds(c0 + 2 * pi, 2)],
            osems[slot])

    def wait_out(slot):
        pltpu.make_async_copy(
            bufs[slot],
            out_hbm.at[pl.ds(0, _BH), pl.ds(c0, 2)],
            osems[slot]).wait()

    iot = lax.iota(jnp.int32, _L)

    def comp(ui, slot):
        pi, _ = unit(ui)
        buf = bufs[slot]
        s = [[circ_v[pl.ds((k * _CPW + 2 * pi + u) * _L, _L)]
              for k in range(_NCIR)] for u in range(2)]

        def add(j, carry):
            h = lax.shift_right_logical(j, 4)
            jw = lax.bitwise_and(j, _WL - 1)
            w = jw * _L + iot
            d = jnp.minimum(jnp.minimum(h, (_H - 1) - h),
                            jnp.minimum(w, (_W - 1) - w))
            for u in range(2):
                su = s[u]
                a = jnp.where(d == 0, su[0],
                              jnp.where(d == 1, su[1],
                                        jnp.where(d == 2, su[2], su[3])))
                for b in range(_BH):
                    plsc.addupdate(buf.at[b, u, h, pl.ds(jw * _L, _L)], a)
            return carry
        lax.fori_loop(0, _H * _WL, add, 0)

    def step(ui, slot):
        wait_in(slot)
        comp(ui, slot)
        fire_out(ui, slot)

        @pl.when(jnp.logical_and(ui >= 1, ui + 2 < _NU))
        def _():
            wait_out((slot + 2) % _NSLOT)

        @pl.when(ui + 2 < _NU)
        def _():
            fire_in(ui + 2, (slot + 2) % _NSLOT)

    fire_in(0, 0)
    fire_in(1, 1)

    def group(g, carry):
        for sl in range(_NSLOT):
            step(g * _NSLOT + sl, sl)
        return carry
    lax.fori_loop(0, _NU // _NSLOT, group, 0)

    wait_out(0)
    wait_out(1)
    wait_out(2)


def kernel(x, circles):
    circ_rep = jnp.broadcast_to(
        circles.astype(jnp.float32).reshape(_NCIR * _C, 1), (_NCIR * _C, _L)
    ).reshape(_NCIR * _C * _L)
    mesh = plsc.VectorSubcoreMesh(core_axis_name="c", subcore_axis_name="s")
    run = pl.kernel(
        _sc_body,
        mesh=mesh,
        out_type=jax.ShapeDtypeStruct((_B, _C, _H, _W), jnp.float32),
        scratch_types=[
            pltpu.VMEM((_BH, 2, _H, _W), jnp.float32),
            pltpu.VMEM((_BH, 2, _H, _W), jnp.float32),
            pltpu.VMEM((_BH, 2, _H, _W), jnp.float32),
            pltpu.VMEM((_NCIR * _CPW * _L,), jnp.float32),
            pltpu.SemaphoreType.DMA,
            pltpu.SemaphoreType.DMA,
            pltpu.SemaphoreType.DMA,
            pltpu.SemaphoreType.DMA,
        ],
    )
    return run(x.astype(jnp.float32), circ_rep)

# --- scband reference (transcript-rebuilt; emitter-appended) ---
"""Pipeline reference for scband-rotate-rel-ebd-45724221833316 (READ-ONLY COPY).

The authoritative reference and input builder live on the scoring server;
editing this copy changes nothing except your own understanding.
"""

import jax, jax.numpy as jnp
import numpy as np

DIM = 768
N_CIRCLE = 4


def setup_inputs(seed: int = 0) -> dict:
    key = jax.random.key(seed)
    kx, = jax.random.split(key, 1)
    x = jax.random.normal(kx, (16, DIM, 8, 256), dtype=jnp.float32)
    # circle_mat{i} = zeros(1, dim) + diff_add_values[i], stacked into [n_circle, dim]
    diff_add_values = jnp.array([-1.0, 0.0, 1.0, 2.0], dtype=jnp.float32)
    circles = diff_add_values[:N_CIRCLE, None] * jnp.ones((N_CIRCLE, DIM), dtype=jnp.float32)
    return {"x": x, "circles": circles}


def reference(x, circles):
    # x: [B, C, H, W]; circles: [n_circle, C]
    H, W = x.shape[2], x.shape[3]
    ii = jnp.arange(H)[:, None]
    jj = jnp.arange(W)[None, :]
    # dis_2_edge = min(i, j, H-i-1, W-j-1)
    dis = jnp.minimum(jnp.minimum(ii, jj), jnp.minimum(H - 1 - ii, W - 1 - jj))  # [H, W] int
    # gather per-position ring embedding: [H, W, C]
    add = jnp.take(circles, dis, axis=0)
    # -> [C, H, W], broadcast over batch
    add = jnp.transpose(add, (2, 0, 1))
    out = x.astype(jnp.float32) + add[None, :, :, :]
    return out

if __name__ == "__main__":
    import jax
    _d = setup_inputs()
    print(jax.jit(kernel)(*tuple(_d.values())))

</pallas_src>

<mosaic_0001>
#map = affine_map<(d0, d1) -> (0, 0, 0, 0)>
#map1 = affine_map<(d0, d1) -> (0)>
module attributes {stable_mosaic.version = 14 : i64} {
  func.func @_sc_body(%arg0: i32, %arg1: i32, %arg2: memref<16x768x8x256xf32, #tpu.memory_space<hbm>>, %arg3: memref<49152xf32, #tpu.memory_space<hbm>>, %arg4: memref<16x768x8x256xf32, #tpu.memory_space<hbm>>, %arg5: memref<8x2x8x256xf32, #tpu.memory_space<vmem>>, %arg6: memref<8x2x8x256xf32, #tpu.memory_space<vmem>>, %arg7: memref<8x2x8x256xf32, #tpu.memory_space<vmem>>, %arg8: memref<1536xf32, #tpu.memory_space<vmem>>, %arg9: memref<!tpu.dma_semaphore, #tpu.memory_space<semaphore_mem>>, %arg10: memref<!tpu.dma_semaphore, #tpu.memory_space<semaphore_mem>>, %arg11: memref<!tpu.dma_semaphore, #tpu.memory_space<semaphore_mem>>, %arg12: memref<!tpu.dma_semaphore, #tpu.memory_space<semaphore_mem>>) attributes {dimension_semantics = [#tpu.dimension_semantics<core_parallel>, #tpu.dimension_semantics<subcore_parallel>], iteration_bounds = array<i64: 2, 16>, scalar_prefetch = 0 : i64, scratch_operands = 8 : i64, tpu.core_type = #tpu.core_type<sc_vector_subcore>, window_params = [{transform_indices = #map}, {transform_indices = #map1}, {transform_indices = #map}]} {
    %mul3A = arith.constant 2 : i32
    %mul3A_0 = arith.muli %arg1, %mul3A : i32
    %add3A = arith.addi %mul3A_0, %arg0 : i32
    %mul3A_1 = arith.constant 24 : i32
    %mul3A_2 = arith.muli %add3A, %mul3A_1 : i32
    %add3A_3 = arith.constant 0 : i32
    %add3A_4 = arith.addi %add3A_3, %mul3A_2 : i32
    %mul3A_5 = arith.constant 16 : i32
    %mul3A_6 = arith.muli %add3A_4, %mul3A_5 : i32
    "tpu.region"() ({
      %run_scoped3A = tpu.sem_alloc : memref<!tpu.dma_semaphore, #tpu.memory_space<semaphore_mem>>
      %dma_start3A_78 = arith.constant 0 : i32
      %dma_start3A_79 = tpu.memref_slice %arg8[%dma_start3A_78] : memref<1536xf32, #tpu.memory_space<vmem>> -> memref<384xf32, #tpu.memory_space<vmem>>
      %dma_start3A_80 = tpu.memref_slice %arg3[%mul3A_6] : memref<49152xf32, #tpu.memory_space<hbm>> -> memref<384xf32, #tpu.memory_space<hbm>>
      %dma_start3A_81 = arith.constant 0 : i32
      %dma_start3A_82 = tpu.memref_slice %arg8[%dma_start3A_81] : memref<1536xf32, #tpu.memory_space<vmem>> -> memref<384xf32, #tpu.memory_space<vmem>>
      %dma_start3A_83 = tpu.memref_slice %arg3[%mul3A_6] : memref<49152xf32, #tpu.memory_space<hbm>> -> memref<384xf32, #tpu.memory_space<hbm>>
      tpu.enqueue_dma source(%dma_start3A_83 : memref<384xf32, #tpu.memory_space<hbm>>) target(%dma_start3A_82 : memref<384xf32, #tpu.memory_space<vmem>>) target_semaphore(%run_scoped3A : memref<!tpu.dma_semaphore, #tpu.memory_space<semaphore_mem>>)
      %dma_wait3A_84 = arith.constant 0 : i32
      %dma_wait3A_85 = tpu.memref_slice %arg8[%dma_wait3A_84] : memref<1536xf32, #tpu.memory_space<vmem>> -> memref<384xf32, #tpu.memory_space<vmem>>
      %dma_wait3A_86 = tpu.memref_slice %arg3[%mul3A_6] : memref<49152xf32, #tpu.memory_space<hbm>> -> memref<384xf32, #tpu.memory_space<hbm>>
      %dma_wait3A_87 = arith.constant 0 : i32
      %dma_wait3A_88 = tpu.memref_slice %arg8[%dma_wait3A_87] : memref<1536xf32, #tpu.memory_space<vmem>> -> memref<384xf32, #tpu.memory_space<vmem>>
      %dma_wait3A_89 = tpu.memref_slice %arg3[%mul3A_6] : memref<49152xf32, #tpu.memory_space<hbm>> -> memref<384xf32, #tpu.memory_space<hbm>>
      tpu.wait_dma2 semaphore(%run_scoped3A : memref<!tpu.dma_semaphore, #tpu.memory_space<semaphore_mem>>) src(%dma_wait3A_89 : memref<384xf32, #tpu.memory_space<hbm>>) dst(%dma_wait3A_88 : memref<384xf32, #tpu.memory_space<vmem>>)
      tpu.yield
    }) : () -> ()
    %add3A_7 = arith.constant 768 : i32
    %add3A_8 = arith.addi %add3A_7, %mul3A_2 : i32
    %mul3A_9 = arith.constant 16 : i32
    %mul3A_10 = arith.muli %add3A_8, %mul3A_9 : i32
    "tpu.region"() ({
      %run_scoped3A = tpu.sem_alloc : memref<!tpu.dma_semaphore, #tpu.memory_space<semaphore_mem>>
      %dma_start3A_78 = arith.constant 384 : i32
      %dma_start3A_79 = tpu.memref_slice %arg8[%dma_start3A_78] : memref<1536xf32, #tpu.memory_space<vmem>> -> memref<384xf32, #tpu.memory_space<vmem>>
      %dma_start3A_80 = tpu.memref_slice %arg3[%mul3A_10] : memref<49152xf32, #tpu.memory_space<hbm>> -> memref<384xf32, #tpu.memory_space<hbm>>
      %dma_start3A_81 = arith.constant 384 : i32
      %dma_start3A_82 = tpu.memref_slice %arg8[%dma_start3A_81] : memref<1536xf32, #tpu.memory_space<vmem>> -> memref<384xf32, #tpu.memory_space<vmem>>
      %dma_start3A_83 = tpu.memref_slice %arg3[%mul3A_10] : memref<49152xf32, #tpu.memory_space<hbm>> -> memref<384xf32, #tpu.memory_space<hbm>>
      tpu.enqueue_dma source(%dma_start3A_83 : memref<384xf32, #tpu.memory_space<hbm>>) target(%dma_start3A_82 : memref<384xf32, #tpu.memory_space<vmem>>) target_semaphore(%run_scoped3A : memref<!tpu.dma_semaphore, #tpu.memory_space<semaphore_mem>>)
      %dma_wait3A_84 = arith.constant 384 : i32
      %dma_wait3A_85 = tpu.memref_slice %arg8[%dma_wait3A_84] : memref<1536xf32, #tpu.memory_space<vmem>> -> memref<384xf32, #tpu.memory_space<vmem>>
      %dma_wait3A_86 = tpu.memref_slice %arg3[%mul3A_10] : memref<49152xf32, #tpu.memory_space<hbm>> -> memref<384xf32, #tpu.memory_space<hbm>>
      %dma_wait3A_87 = arith.constant 384 : i32
      %dma_wait3A_88 = tpu.memref_slice %arg8[%dma_wait3A_87] : memref<1536xf32, #tpu.memory_space<vmem>> -> memref<384xf32, #tpu.memory_space<vmem>>
      %dma_wait3A_89 = tpu.memref_slice %arg3[%mul3A_10] : memref<49152xf32, #tpu.memory_space<hbm>> -> memref<384xf32, #tpu.memory_space<hbm>>
      tpu.wait_dma2 semaphore(%run_scoped3A : memref<!tpu.dma_semaphore, #tpu.memory_space<semaphore_mem>>) src(%dma_wait3A_89 : memref<384xf32, #tpu.memory_space<hbm>>) dst(%dma_wait3A_88 : memref<384xf32, #tpu.memory_space<vmem>>)
      tpu.yield
    }) : () -> ()
    %add3A_11 = arith.constant 1536 : i32
    %add3A_12 = arith.addi %add3A_11, %mul3A_2 : i32
    %mul3A_13 = arith.constant 16 : i32
    %mul3A_14 = arith.muli %add3A_12, %mul3A_13 : i32
    "tpu.region"() ({
      %run_scoped3A = tpu.sem_alloc : memref<!tpu.dma_semaphore, #tpu.memory_space<semaphore_mem>>
      %dma_start3A_78 = arith.constant 768 : i32
      %dma_start3A_79 = tpu.memref_slice %arg8[%dma_start3A_78] : memref<1536xf32, #tpu.memory_space<vmem>> -> memref<384xf32, #tpu.memory_space<vmem>>
      %dma_start3A_80 = tpu.memref_slice %arg3[%mul3A_14] : memref<49152xf32, #tpu.memory_space<hbm>> -> memref<384xf32, #tpu.memory_space<hbm>>
      %dma_start3A_81 = arith.constant 768 : i32
      %dma_start3A_82 = tpu.memref_slice %arg8[%dma_start3A_81] : memref<1536xf32, #tpu.memory_space<vmem>> -> memref<384xf32, #tpu.memory_space<vmem>>
      %dma_start3A_83 = tpu.memref_slice %arg3[%mul3A_14] : memref<49152xf32, #tpu.memory_space<hbm>> -> memref<384xf32, #tpu.memory_space<hbm>>
      tpu.enqueue_dma source(%dma_start3A_83 : memref<384xf32, #tpu.memory_space<hbm>>) target(%dma_start3A_82 : memref<384xf32, #tpu.memory_space<vmem>>) target_semaphore(%run_scoped3A : memref<!tpu.dma_semaphore, #tpu.memory_space<semaphore_mem>>)
      %dma_wait3A_84 = arith.constant 768 : i32
      %dma_wait3A_85 = tpu.memref_slice %arg8[%dma_wait3A_84] : memref<1536xf32, #tpu.memory_space<vmem>> -> memref<384xf32, #tpu.memory_space<vmem>>
      %dma_wait3A_86 = tpu.memref_slice %arg3[%mul3A_14] : memref<49152xf32, #tpu.memory_space<hbm>> -> memref<384xf32, #tpu.memory_space<hbm>>
      %dma_wait3A_87 = arith.constant 768 : i32
      %dma_wait3A_88 = tpu.memref_slice %arg8[%dma_wait3A_87] : memref<1536xf32, #tpu.memory_space<vmem>> -> memref<384xf32, #tpu.memory_space<vmem>>
      %dma_wait3A_89 = tpu.memref_slice %arg3[%mul3A_14] : memref<49152xf32, #tpu.memory_space<hbm>> -> memref<384xf32, #tpu.memory_space<hbm>>
      tpu.wait_dma2 semaphore(%run_scoped3A : memref<!tpu.dma_semaphore, #tpu.memory_space<semaphore_mem>>) src(%dma_wait3A_89 : memref<384xf32, #tpu.memory_space<hbm>>) dst(%dma_wait3A_88 : memref<384xf32, #tpu.memory_space<vmem>>)
      tpu.yield
    }) : () -> ()
    %add3A_15 = arith.constant 2304 : i32
    %add3A_16 = arith.addi %add3A_15, %mul3A_2 : i32
    %mul3A_17 = arith.constant 16 : i32
    %mul3A_18 = arith.muli %add3A_16, %mul3A_17 : i32
    "tpu.region"() ({
      %run_scoped3A = tpu.sem_alloc : memref<!tpu.dma_semaphore, #tpu.memory_space<semaphore_mem>>
      %dma_start3A_78 = arith.constant 1152 : i32
      %dma_start3A_79 = tpu.memref_slice %arg8[%dma_start3A_78] : memref<1536xf32, #tpu.memory_space<vmem>> -> memref<384xf32, #tpu.memory_space<vmem>>
      %dma_start3A_80 = tpu.memref_slice %arg3[%mul3A_18] : memref<49152xf32, #tpu.memory_space<hbm>> -> memref<384xf32, #tpu.memory_space<hbm>>
      %dma_start3A_81 = arith.constant 1152 : i32
      %dma_start3A_82 = tpu.memref_slice %arg8[%dma_start3A_81] : memref<1536xf32, #tpu.memory_space<vmem>> -> memref<384xf32, #tpu.memory_space<vmem>>
      %dma_start3A_83 = tpu.memref_slice %arg3[%mul3A_18] : memref<49152xf32, #tpu.memory_space<hbm>> -> memref<384xf32, #tpu.memory_space<hbm>>
      tpu.enqueue_dma source(%dma_start3A_83 : memref<384xf32, #tpu.memory_space<hbm>>) target(%dma_start3A_82 : memref<384xf32, #tpu.memory_space<vmem>>) target_semaphore(%run_scoped3A : memref<!tpu.dma_semaphore, #tpu.memory_space<semaphore_mem>>)
      %dma_wait3A_84 = arith.constant 1152 : i32
      %dma_wait3A_85 = tpu.memref_slice %arg8[%dma_wait3A_84] : memref<1536xf32, #tpu.memory_space<vmem>> -> memref<384xf32, #tpu.memory_space<vmem>>
      %dma_wait3A_86 = tpu.memref_slice %arg3[%mul3A_18] : memref<49152xf32, #tpu.memory_space<hbm>> -> memref<384xf32, #tpu.memory_space<hbm>>
      %dma_wait3A_87 = arith.constant 1152 : i32
      %dma_wait3A_88 = tpu.memref_slice %arg8[%dma_wait3A_87] : memref<1536xf32, #tpu.memory_space<vmem>> -> memref<384xf32, #tpu.memory_space<vmem>>
      %dma_wait3A_89 = tpu.memref_slice %arg3[%mul3A_18] : memref<49152xf32, #tpu.memory_space<hbm>> -> memref<384xf32, #tpu.memory_space<hbm>>
      tpu.wait_dma2 semaphore(%run_scoped3A : memref<!tpu.dma_semaphore, #tpu.memory_space<semaphore_mem>>) src(%dma_wait3A_89 : memref<384xf32, #tpu.memory_space<hbm>>) dst(%dma_wait3A_88 : memref<384xf32, #tpu.memory_space<vmem>>)
      tpu.yield
    }) : () -> ()
    %iota3A = tpu.iota {dimensions = array<i32: 0>} : vector<16xi32>
    %shift_right_logical3A = arith.constant 0 : i32
    %shift_right_logical3A_19 = arith.constant 1 : i32
    %shift_right_logical3A_20 = arith.shrui %shift_right_logical3A, %shift_right_logical3A_19 : i32
    %and3A = arith.constant 0 : i32
    %and3A_21 = arith.constant 1 : i32
    %and3A_22 = arith.andi %and3A, %and3A_21 : i32
    %mul3A_23 = arith.constant 8 : i32
    %mul3A_24 = arith.muli %and3A_22, %mul3A_23 : i32
    %mul3A_25 = arith.constant 2 : i32
    %mul3A_26 = arith.muli %mul3A_25, %shift_right_logical3A_20 : i32
    %add3A_27 = arith.addi %mul3A_2, %mul3A_26 : i32
    %dma_start3A = arith.constant 0 : i32
    %dma_start3A_28 = arith.constant 0 : i32
    %dma_start3A_29 = tpu.memref_slice %arg2[%mul3A_24, %add3A_27, %dma_start3A, %dma_start3A_28] : memref<16x768x8x256xf32, #tpu.memory_space<hbm>> -> memref<8x2x8x256xf32, #tpu.memory_space<hbm>>
    %dma_start3A_30 = arith.constant 0 : i32
    %dma_start3A_31 = arith.constant 0 : i32
    %dma_start3A_32 = tpu.memref_slice %arg2[%mul3A_24, %add3A_27, %dma_start3A_30, %dma_start3A_31] : memref<16x768x8x256xf32, #tpu.memory_space<hbm>> -> memref<8x2x8x256xf32, #tpu.memory_space<hbm>>
    tpu.enqueue_dma source(%dma_start3A_32 : memref<8x2x8x256xf32, #tpu.memory_space<hbm>>) target(%arg5 : memref<8x2x8x256xf32, #tpu.memory_space<vmem>>) target_semaphore(%arg9 : memref<!tpu.dma_semaphore, #tpu.memory_space<semaphore_mem>>)
    %shift_right_logical3A_33 = arith.constant 1 : i32
    %shift_right_logical3A_34 = arith.constant 1 : i32
    %shift_right_logical3A_35 = arith.shrui %shift_right_logical3A_33, %shift_right_logical3A_34 : i32
    %and3A_36 = arith.constant 1 : i32
    %and3A_37 = arith.constant 1 : i32
    %and3A_38 = arith.andi %and3A_36, %and3A_37 : i32
    %mul3A_39 = arith.constant 8 : i32
    %mul3A_40 = arith.muli %and3A_38, %mul3A_39 : i32
    %mul3A_41 = arith.constant 2 : i32
    %mul3A_42 = arith.muli %mul3A_41, %shift_right_logical3A_35 : i32
    %add3A_43 = arith.addi %mul3A_2, %mul3A_42 : i32
    %dma_start3A_44 = arith.constant 0 : i32
    %dma_start3A_45 = arith.constant 0 : i32
    %dma_start3A_46 = tpu.memref_slice %arg2[%mul3A_40, %add3A_43, %dma_start3A_44, %dma_start3A_45] : memref<16x768x8x256xf32, #tpu.memory_space<hbm>> -> memref<8x2x8x256xf32, #tpu.memory_space<hbm>>
    %dma_start3A_47 = arith.constant 0 : i32
    %dma_start3A_48 = arith.constant 0 : i32
    %dma_start3A_49 = tpu.memref_slice %arg2[%mul3A_40, %add3A_43, %dma_start3A_47, %dma_start3A_48] : memref<16x768x8x256xf32, #tpu.memory_space<hbm>> -> memref<8x2x8x256xf32, #tpu.memory_space<hbm>>
    tpu.enqueue_dma source(%dma_start3A_49 : memref<8x2x8x256xf32, #tpu.memory_space<hbm>>) target(%arg6 : memref<8x2x8x256xf32, #tpu.memory_space<vmem>>) target_semaphore(%arg9 : memref<!tpu.dma_semaphore, #tpu.memory_space<semaphore_mem>>)
    %scan3A = arith.constant 0 : i32
    %scan3A_50 = arith.constant 0 : i32
    %scan3A_51 = arith.constant 8 : i32
    %scan3A_52 = arith.addi %scan3A_50, %scan3A_51 : i32
    %scan3A_53 = arith.constant 1 : i32
    scf.for %scan3A_78 = %scan3A_50 to %scan3A_52 step %scan3A_53  : i32 {
      %mul3A_79 = arith.constant 3 : i32
      %mul3A_80 = arith.muli %scan3A_78, %mul3A_79 : i32
      %add3A_81 = arith.constant 0 : i32
      %add3A_82 = arith.addi %mul3A_80, %add3A_81 : i32
      %dma_wait3A_83 = arith.constant 0 : i32
      %dma_wait3A_84 = arith.constant 0 : i32
      %dma_wait3A_85 = arith.constant 0 : i32
      %dma_wait3A_86 = tpu.memref_slice %arg2[%dma_wait3A_83, %mul3A_2, %dma_wait3A_84, %dma_wait3A_85] : memref<16x768x8x256xf32, #tpu.memory_space<hbm>> -> memref<8x2x8x256xf32, #tpu.memory_space<hbm>>
      %dma_wait3A_87 = arith.constant 0 : i32
      %dma_wait3A_88 = arith.constant 0 : i32
      %dma_wait3A_89 = arith.constant 0 : i32
      %dma_wait3A_90 = tpu.memref_slice %arg2[%dma_wait3A_87, %mul3A_2, %dma_wait3A_88, %dma_wait3A_89] : memref<16x768x8x256xf32, #tpu.memory_space<hbm>> -> memref<8x2x8x256xf32, #tpu.memory_space<hbm>>
      tpu.wait_dma2 semaphore(%arg9 : memref<!tpu.dma_semaphore, #tpu.memory_space<semaphore_mem>>) src(%dma_wait3A_90 : memref<8x2x8x256xf32, #tpu.memory_space<hbm>>) dst(%arg5 : memref<8x2x8x256xf32, #tpu.memory_space<vmem>>)
      %shift_right_logical3A_91 = arith.constant 1 : i32
      %shift_right_logical3A_92 = arith.shrui %add3A_82, %shift_right_logical3A_91 : i32
      %and3A_93 = arith.constant 1 : i32
      %and3A_94 = arith.andi %add3A_82, %and3A_93 : i32
      %mul3A_95 = arith.constant 8 : i32
      %mul3A_96 = arith.muli %and3A_94, %mul3A_95 : i32
      %mul3A_97 = arith.constant 2 : i32
      %mul3A_98 = arith.muli %mul3A_97, %shift_right_logical3A_92 : i32
      %add3A_99 = arith.constant 0 : i32
      %add3A_100 = arith.addi %add3A_99, %mul3A_98 : i32
      %add3A_101 = arith.constant 0 : i32
      %add3A_102 = arith.addi %add3A_100, %add3A_101 : i32
      %mul3A_103 = arith.constant 16 : i32
      %mul3A_104 = arith.muli %add3A_102, %mul3A_103 : i32
      %get3A = arith.index_cast %mul3A_104 : i32 to index
      %get3A_105 = tpu.vector_load %arg8[%get3A] {strides = array<i32>} : memref<1536xf32, #tpu.memory_space<vmem>>, vector<16xf32>,
      %get3A_106 = vector.shape_cast %get3A_105 : vector<16xf32> to vector<16xf32>
      %mul3A_107 = arith.constant 2 : i32
      %mul3A_108 = arith.muli %mul3A_107, %shift_right_logical3A_92 : i32
      %add3A_109 = arith.constant 24 : i32
      %add3A_110 = arith.addi %add3A_109, %mul3A_108 : i32
      %add3A_111 = arith.constant 0 : i32
      %add3A_112 = arith.addi %add3A_110, %add3A_111 : i32
      %mul3A_113 = arith.constant 16 : i32
      %mul3A_114 = arith.muli %add3A_112, %mul3A_113 : i32
      %get3A_115 = arith.index_cast %mul3A_114 : i32 to index
      %get3A_116 = tpu.vector_load %arg8[%get3A_115] {strides = array<i32>} : memref<1536xf32, #tpu.memory_space<vmem>>, vector<16xf32>,
      %get3A_117 = vector.shape_cast %get3A_116 : vector<16xf32> to vector<16xf32>
      %mul3A_118 = arith.constant 2 : i32
      %mul3A_119 = arith.muli %mul3A_118, %shift_right_logical3A_92 : i32
      %add3A_120 = arith.constant 48 : i32
      %add3A_121 = arith.addi %add3A_120, %mul3A_119 : i32
      %add3A_122 = arith.constant 0 : i32
      %add3A_123 = arith.addi %add3A_121, %add3A_122 : i32
      %mul3A_124 = arith.constant 16 : i32
      %mul3A_125 = arith.muli %add3A_123, %mul3A_124 : i32
      %get3A_126 = arith.index_cast %mul3A_125 : i32 to index
      %get3A_127 = tpu.vector_load %arg8[%get3A_126] {strides = array<i32>} : memref<1536xf32, #tpu.memory_space<vmem>>, vector<16xf32>,
      %get3A_128 = vector.shape_cast %get3A_127 : vector<16xf32> to vector<16xf32>
      %mul3A_129 = arith.constant 2 : i32
      %mul3A_130 = arith.muli %mul3A_129, %shift_right_logical3A_92 : i32
      %add3A_131 = arith.constant 72 : i32
      %add3A_132 = arith.addi %add3A_131, %mul3A_130 : i32
      %add3A_133 = arith.constant 0 : i32
      %add3A_134 = arith.addi %add3A_132, %add3A_133 : i32
      %mul3A_135 = arith.constant 16 : i32
      %mul3A_136 = arith.muli %add3A_134, %mul3A_135 : i32
      %get3A_137 = arith.index_cast %mul3A_136 : i32 to index
      %get3A_138 = tpu.vector_load %arg8[%get3A_137] {strides = array<i32>} : memref<1536xf32, #tpu.memory_space<vmem>>, vector<16xf32>,
      %get3A_139 = vector.shape_cast %get3A_138 : vector<16xf32> to vector<16xf32>
      %mul3A_140 = arith.constant 2 : i32
      %mul3A_141 = arith.muli %mul3A_140, %shift_right_logical3A_92 : i32
      %add3A_142 = arith.constant 0 : i32
      %add3A_143 = arith.addi %add3A_142, %mul3A_141 : i32
      %add3A_144 = arith.constant 1 : i32
      %add3A_145 = arith.addi %add3A_143, %add3A_144 : i32
      %mul3A_146 = arith.constant 16 : i32
      %mul3A_147 = arith.muli %add3A_145, %mul3A_146 : i32
      %get3A_148 = arith.index_cast %mul3A_147 : i32 to index
      %get3A_149 = tpu.vector_load %arg8[%get3A_148] {strides = array<i32>} : memref<1536xf32, #tpu.memory_space<vmem>>, vector<16xf32>,
      %get3A_150 = vector.shape_cast %get3A_149 : vector<16xf32> to vector<16xf32>
      %mul3A_151 = arith.constant 2 : i32
      %mul3A_152 = arith.muli %mul3A_151, %shift_right_logical3A_92 : i32
      %add3A_153 = arith.constant 24 : i32
      %add3A_154 = arith.addi %add3A_153, %mul3A_152 : i32
      %add3A_155 = arith.constant 1 : i32
      %add3A_156 = arith.addi %add3A_154, %add3A_155 : i32
      %mul3A_157 = arith.constant 16 : i32
      %mul3A_158 = arith.muli %add3A_156, %mul3A_157 : i32
      %get3A_159 = arith.index_cast %mul3A_158 : i32 to index
      %get3A_160 = tpu.vector_load %arg8[%get3A_159] {strides = array<i32>} : memref<1536xf32, #tpu.memory_space<vmem>>, vector<16xf32>,
      %get3A_161 = vector.shape_cast %get3A_160 : vector<16xf32> to vector<16xf32>
      %mul3A_162 = arith.constant 2 : i32
      %mul3A_163 = arith.muli %mul3A_162, %shift_right_logical3A_92 : i32
      %add3A_164 = arith.constant 48 : i32
      %add3A_165 = arith.addi %add3A_164, %mul3A_163 : i32
      %add3A_166 = arith.constant 1 : i32
      %add3A_167 = arith.addi %add3A_165, %add3A_166 : i32
      %mul3A_168 = arith.constant 16 : i32
      %mul3A_169 = arith.muli %add3A_167, %mul3A_168 : i32
      %get3A_170 = arith.index_cast %mul3A_169 : i32 to index
      %get3A_171 = tpu.vector_load %arg8[%get3A_170] {strides = array<i32>} : memref<1536xf32, #tpu.memory_space<vmem>>, vector<16xf32>,
      %get3A_172 = vector.shape_cast %get3A_171 : vector<16xf32> to vector<16xf32>
      %mul3A_173 = arith.constant 2 : i32
      %mul3A_174 = arith.muli %mul3A_173, %shift_right_logical3A_92 : i32
      %add3A_175 = arith.constant 72 : i32
      %add3A_176 = arith.addi %add3A_175, %mul3A_174 : i32
      %add3A_177 = arith.constant 1 : i32
      %add3A_178 = arith.addi %add3A_176, %add3A_177 : i32
      %mul3A_179 = arith.constant 16 : i32
      %mul3A_180 = arith.muli %add3A_178, %mul3A_179 : i32
      %get3A_181 = arith.index_cast %mul3A_180 : i32 to index
      %get3A_182 = tpu.vector_load %arg8[%get3A_181] {strides = array<i32>} : memref<1536xf32, #tpu.memory_space<vmem>>, vector<16xf32>,
      %get3A_183 = vector.shape_cast %get3A_182 : vector<16xf32> to vector<16xf32>
      %scan3A_184 = arith.constant 0 : i32
      %scan3A_185 = arith.constant 0 : i32
      %scan3A_186 = arith.constant 128 : i32
      %scan3A_187 = arith.addi %scan3A_185, %scan3A_186 : i32
      %scan3A_188 = arith.constant 1 : i32
      scf.for %scan3A_506 = %scan3A_185 to %scan3A_187 step %scan3A_188  : i32 {
        %shift_right_logical3A_507 = arith.constant 4 : i32
        %shift_right_logical3A_508 = arith.shrui %scan3A_506, %shift_right_logical3A_507 : i32
        %and3A_509 = arith.constant 15 : i32
        %and3A_510 = arith.andi %scan3A_506, %and3A_509 : i32
        %mul3A_511 = arith.constant 16 : i32
        %mul3A_512 = arith.muli %and3A_510, %mul3A_511 : i32
        %add3A_513 = vector.broadcast %mul3A_512 : i32 to vector<16xi32>
        %add3A_514 = arith.addi %add3A_513, %iota3A : vector<16xi32>
        %sub3A = arith.constant 7 : i32
        %sub3A_515 = arith.subi %sub3A, %shift_right_logical3A_508 : i32
        %min3A = arith.minsi %shift_right_logical3A_508, %sub3A_515 : i32
        %sub3A_516 = arith.constant 255 : i32
        %sub3A_517 = vector.broadcast %sub3A_516 : i32 to vector<16xi32>
        %sub3A_518 = arith.subi %sub3A_517, %add3A_514 : vector<16xi32>
        %min3A_519 = arith.minsi %add3A_514, %sub3A_518 : vector<16xi32>
        %min3A_520 = vector.broadcast %min3A : i32 to vector<16xi32>
        %min3A_521 = arith.minsi %min3A_520, %min3A_519 : vector<16xi32>
        %eq3A = arith.constant 0 : i32
        %eq3A_522 = vector.broadcast %eq3A : i32 to vector<16xi32>
        %eq3A_523 = arith.cmpi eq, %min3A_521, %eq3A_522 : vector<16xi32>
        %eq3A_524 = arith.constant 1 : i32
        %eq3A_525 = vector.broadcast %eq3A_524 : i32 to vector<16xi32>
        %eq3A_526 = arith.cmpi eq, %min3A_521, %eq3A_525 : vector<16xi32>
        %eq3A_527 = arith.constant 2 : i32
        %eq3A_528 = vector.broadcast %eq3A_527 : i32 to vector<16xi32>
        %eq3A_529 = arith.cmpi eq, %min3A_521, %eq3A_528 : vector<16xi32>
        %select_n3A = arith.select %eq3A_529, %get3A_128, %get3A_139 : vector<16xi1>, vector<16xf32>
        %select_n3A_530 = arith.select %eq3A_526, %get3A_117, %select_n3A : vector<16xi1>, vector<16xf32>
        %select_n3A_531 = arith.select %eq3A_523, %get3A_106, %select_n3A_530 : vector<16xi1>, vector<16xf32>
        %mul3A_532 = arith.constant 16 : i32
        %mul3A_533 = arith.muli %and3A_510, %mul3A_532 : i32
        %swap3A = arith.constant 0 : i32
        %swap3A_534 = arith.constant 0 : i32
        %swap3A_535 = arith.index_cast %swap3A : i32 to index
        %swap3A_536 = arith.index_cast %swap3A_534 : i32 to index
        %swap3A_537 = arith.index_cast %shift_right_logical3A_508 : i32 to index
        %swap3A_538 = arith.index_cast %mul3A_533 : i32 to index
        %swap3A_539 = tpu.vector_load %arg5[%swap3A_535, %swap3A_536, %swap3A_537, %swap3A_538] {strides = array<i32>} : memref<8x2x8x256xf32, #tpu.memory_space<vmem>>, vector<1x1x1x16xf32>,
        %swap3A_540 = vector.shape_cast %swap3A_539 : vector<1x1x1x16xf32> to vector<16xf32>
        %swap3A_541 = vector.shape_cast %select_n3A_531 : vector<16xf32> to vector<1x1x1x16xf32>
        tpu.vector_store %arg5[%swap3A_535, %swap3A_536, %swap3A_537, %swap3A_538], %swap3A_541 {add = true, strides = array<i32>} : memref<8x2x8x256xf32, #tpu.memory_space<vmem>>, vector<1x1x1x16xf32>,
        %mul3A_542 = arith.constant 16 : i32
        %mul3A_543 = arith.muli %and3A_510, %mul3A_542 : i32
        %swap3A_544 = arith.constant 1 : i32
        %swap3A_545 = arith.constant 0 : i32
        %swap3A_546 = arith.index_cast %swap3A_544 : i32 to index
        %swap3A_547 = arith.index_cast %swap3A_545 : i32 to index
        %swap3A_548 = arith.index_cast %shift_right_logical3A_508 : i32 to index
        %swap3A_549 = arith.index_cast %mul3A_543 : i32 to index
        %swap3A_550 = tpu.vector_load %arg5[%swap3A_546, %swap3A_547, %swap3A_548, %swap3A_549] {strides = array<i32>} : memref<8x2x8x256xf32, #tpu.memory_space<vmem>>, vector<1x1x1x16xf32>,
        %swap3A_551 = vector.shape_cast %swap3A_550 : vector<1x1x1x16xf32> to vector<16xf32>
        %swap3A_552 = vector.shape_cast %select_n3A_531 : vector<16xf32> to vector<1x1x1x16xf32>
        tpu.vector_store %arg5[%swap3A_546, %swap3A_547, %swap3A_548, %swap3A_549], %swap3A_552 {add = true, strides = array<i32>} : memref<8x2x8x256xf32, #tpu.memory_space<vmem>>, vector<1x1x1x16xf32>,
        %mul3A_553 = arith.constant 16 : i32
        %mul3A_554 = arith.muli %and3A_510, %mul3A_553 : i32
        %swap3A_555 = arith.constant 2 : i32
        %swap3A_556 = arith.constant 0 : i32
        %swap3A_557 = arith.index_cast %swap3A_555 : i32 to index
        %swap3A_558 = arith.index_cast %swap3A_556 : i32 to index
        %swap3A_559 = arith.index_cast %shift_right_logical3A_508 : i32 to index
        %swap3A_560 = arith.index_cast %mul3A_554 : i32 to index
        %swap3A_561 = tpu.vector_load %arg5[%swap3A_557, %swap3A_558, %swap3A_559, %swap3A_560] {strides = array<i32>} : memref<8x2x8x256xf32, #tpu.memory_space<vmem>>, vector<1x1x1x16xf32>,
        %swap3A_562 = vector.shape_cast %swap3A_561 : vector<1x1x1x16xf32> to vector<16xf32>
        %swap3A_563 = vector.shape_cast %select_n3A_531 : vector<16xf32> to vector<1x1x1x16xf32>
        tpu.vector_store %arg5[%swap3A_557, %swap3A_558, %swap3A_559, %swap3A_560], %swap3A_563 {add = true, strides = array<i32>} : memref<8x2x8x256xf32, #tpu.memory_space<vmem>>, vector<1x1x1x16xf32>,
        %mul3A_564 = arith.constant 16 : i32
        %mul3A_565 = arith.muli %and3A_510, %mul3A_564 : i32
        %swap3A_566 = arith.constant 3 : i32
        %swap3A_567 = arith.constant 0 : i32
        %swap3A_568 = arith.index_cast %swap3A_566 : i32 to index
        %swap3A_569 = arith.index_cast %swap3A_567 : i32 to index
        %swap3A_570 = arith.index_cast %shift_right_logical3A_508 : i32 to index
        %swap3A_571 = arith.index_cast %mul3A_565 : i32 to index
        %swap3A_572 = tpu.vector_load %arg5[%swap3A_568, %swap3A_569, %swap3A_570, %swap3A_571] {strides = array<i32>} : memref<8x2x8x256xf32, #tpu.memory_space<vmem>>, vector<1x1x1x16xf32>,
        %swap3A_573 = vector.shape_cast %swap3A_572 : vector<1x1x1x16xf32> to vector<16xf32>
        %swap3A_574 = vector.shape_cast %select_n3A_531 : vector<16xf32> to vector<1x1x1x16xf32>
        tpu.vector_store %arg5[%swap3A_568, %swap3A_569, %swap3A_570, %swap3A_571], %swap3A_574 {add = true, strides = array<i32>} : memref<8x2x8x256xf32, #tpu.memory_space<vmem>>, vector<1x1x1x16xf32>,
        %mul3A_575 = arith.constant 16 : i32
        %mul3A_576 = arith.muli %and3A_510, %mul3A_575 : i32
        %swap3A_577 = arith.constant 4 : i32
        %swap3A_578 = arith.constant 0 : i32
        %swap3A_579 = arith.index_cast %swap3A_577 : i32 to index
        %swap3A_580 = arith.index_cast %swap3A_578 : i32 to index
        %swap3A_581 = arith.index_cast %shift_right_logical3A_508 : i32 to index
        %swap3A_582 = arith.index_cast %mul3A_576 : i32 to index
        %swap3A_583 = tpu.vector_load %arg5[%swap3A_579, %swap3A_580, %swap3A_581, %swap3A_582] {strides = array<i32>} : memref<8x2x8x256xf32, #tpu.memory_space<vmem>>, vector<1x1x1x16xf32>,
        %swap3A_584 = vector.shape_cast %swap3A_583 : vector<1x1x1x16xf32> to vector<16xf32>
        %swap3A_585 = vector.shape_cast %select_n3A_531 : vector<16xf32> to vector<1x1x1x16xf32>
        tpu.vector_store %arg5[%swap3A_579, %swap3A_580, %swap3A_581, %swap3A_582], %swap3A_585 {add = true, strides = array<i32>} : memref<8x2x8x256xf32, #tpu.memory_space<vmem>>, vector<1x1x1x16xf32>,
        %mul3A_586 = arith.constant 16 : i32
        %mul3A_587 = arith.muli %and3A_510, %mul3A_586 : i32
        %swap3A_588 = arith.constant 5 : i32
        %swap3A_589 = arith.constant 0 : i32
        %swap3A_590 = arith.index_cast %swap3A_588 : i32 to index
        %swap3A_591 = arith.index_cast %swap3A_589 : i32 to index
        %swap3A_592 = arith.index_cast %shift_right_logical3A_508 : i32 to index
        %swap3A_593 = arith.index_cast %mul3A_587 : i32 to index
        %swap3A_594 = tpu.vector_load %arg5[%swap3A_590, %swap3A_591, %swap3A_592, %swap3A_593] {strides = array<i32>} : memref<8x2x8x256xf32, #tpu.memory_space<vmem>>, vector<1x1x1x16xf32>,
        %swap3A_595 = vector.shape_cast %swap3A_594 : vector<1x1x1x16xf32> to vector<16xf32>
        %swap3A_596 = vector.shape_cast %select_n3A_531 : vector<16xf32> to vector<1x1x1x16xf32>
        tpu.vector_store %arg5[%swap3A_590, %swap3A_591, %swap3A_592, %swap3A_593], %swap3A_596 {add = true, strides = array<i32>} : memref<8x2x8x256xf32, #tpu.memory_space<vmem>>, vector<1x1x1x16xf32>,
        %mul3A_597 = arith.constant 16 : i32
        %mul3A_598 = arith.muli %and3A_510, %mul3A_597 : i32
        %swap3A_599 = arith.constant 6 : i32
        %swap3A_600 = arith.constant 0 : i32
        %swap3A_601 = arith.index_cast %swap3A_599 : i32 to index
        %swap3A_602 = arith.index_cast %swap3A_600 : i32 to index
        %swap3A_603 = arith.index_cast %shift_right_logical3A_508 : i32 to index
        %swap3A_604 = arith.index_cast %mul3A_598 : i32 to index
        %swap3A_605 = tpu.vector_load %arg5[%swap3A_601, %swap3A_602, %swap3A_603, %swap3A_604] {strides = array<i32>} : memref<8x2x8x256xf32, #tpu.memory_space<vmem>>, vector<1x1x1x16xf32>,
        %swap3A_606 = vector.shape_cast %swap3A_605 : vector<1x1x1x16xf32> to vector<16xf32>
        %swap3A_607 = vector.shape_cast %select_n3A_531 : vector<16xf32> to vector<1x1x1x16xf32>
        tpu.vector_store %arg5[%swap3A_601, %swap3A_602, %swap3A_603, %swap3A_604], %swap3A_607 {add = true, strides = array<i32>} : memref<8x2x8x256xf32, #tpu.memory_space<vmem>>, vector<1x1x1x16xf32>,
        %mul3A_608 = arith.constant 16 : i32
        %mul3A_609 = arith.muli %and3A_510, %mul3A_608 : i32
        %swap3A_610 = arith.constant 7 : i32
        %swap3A_611 = arith.constant 0 : i32
        %swap3A_612 = arith.index_cast %swap3A_610 : i32 to index
        %swap3A_613 = arith.index_cast %swap3A_611 : i32 to index
        %swap3A_614 = arith.index_cast %shift_right_logical3A_508 : i32 to index
        %swap3A_615 = arith.index_cast %mul3A_609 : i32 to index
        %swap3A_616 = tpu.vector_load %arg5[%swap3A_612, %swap3A_613, %swap3A_614, %swap3A_615] {strides = array<i32>} : memref<8x2x8x256xf32, #tpu.memory_space<vmem>>, vector<1x1x1x16xf32>,
        %swap3A_617 = vector.shape_cast %swap3A_616 : vector<1x1x1x16xf32> to vector<16xf32>
        %swap3A_618 = vector.shape_cast %select_n3A_531 : vector<16xf32> to vector<1x1x1x16xf32>
        tpu.vector_store %arg5[%swap3A_612, %swap3A_613, %swap3A_614, %swap3A_615], %swap3A_618 {add = true, strides = array<i32>} : memref<8x2x8x256xf32, #tpu.memory_space<vmem>>, vector<1x1x1x16xf32>,
        %eq3A_619 = arith.constant 0 : i32
        %eq3A_620 = vector.broadcast %eq3A_619 : i32 to vector<16xi32>
        %eq3A_621 = arith.cmpi eq, %min3A_521, %eq3A_620 : vector<16xi32>
        %eq3A_622 = arith.constant 1 : i32
        %eq3A_623 = vector.broadcast %eq3A_622 : i32 to vector<16xi32>
        %eq3A_624 = arith.cmpi eq, %min3A_521, %eq3A_623 : vector<16xi32>
        %eq3A_625 = arith.constant 2 : i32
        %eq3A_626 = vector.broadcast %eq3A_625 : i32 to vector<16xi32>
        %eq3A_627 = arith.cmpi eq, %min3A_521, %eq3A_626 : vector<16xi32>
        %select_n3A_628 = arith.select %eq3A_627, %get3A_172, %get3A_183 : vector<16xi1>, vector<16xf32>
        %select_n3A_629 = arith.select %eq3A_624, %get3A_161, %select_n3A_628 : vector<16xi1>, vector<16xf32>
        %select_n3A_630 = arith.select %eq3A_621, %get3A_150, %select_n3A_629 : vector<16xi1>, vector<16xf32>
        %mul3A_631 = arith.constant 16 : i32
        %mul3A_632 = arith.muli %and3A_510, %mul3A_631 : i32
        %swap3A_633 = arith.constant 0 : i32
        %swap3A_634 = arith.constant 1 : i32
        %swap3A_635 = arith.index_cast %swap3A_633 : i32 to index
        %swap3A_636 = arith.index_cast %swap3A_634 : i32 to index
        %swap3A_637 = arith.index_cast %shift_right_logical3A_508 : i32 to index
        %swap3A_638 = arith.index_cast %mul3A_632 : i32 to index
        %swap3A_639 = tpu.vector_load %arg5[%swap3A_635, %swap3A_636, %swap3A_637, %swap3A_638] {strides = array<i32>} : memref<8x2x8x256xf32, #tpu.memory_space<vmem>>, vector<1x1x1x16xf32>,
        %swap3A_640 = vector.shape_cast %swap3A_639 : vector<1x1x1x16xf32> to vector<16xf32>
        %swap3A_641 = vector.shape_cast %select_n3A_630 : vector<16xf32> to vector<1x1x1x16xf32>
        tpu.vector_store %arg5[%swap3A_635, %swap3A_636, %swap3A_637, %swap3A_638], %swap3A_641 {add = true, strides = array<i32>} : memref<8x2x8x256xf32, #tpu.memory_space<vmem>>, vector<1x1x1x16xf32>,
        %mul3A_642 = arith.constant 16 : i32
        %mul3A_643 = arith.muli %and3A_510, %mul3A_642 : i32
        %swap3A_644 = arith.constant 1 : i32
        %swap3A_645 = arith.constant 1 : i32
        %swap3A_646 = arith.index_cast %swap3A_644 : i32 to index
        %swap3A_647 = arith.index_cast %swap3A_645 : i32 to index
        %swap3A_648 = arith.index_cast %shift_right_logical3A_508 : i32 to index
        %swap3A_649 = arith.index_cast %mul3A_643 : i32 to index
        %swap3A_650 = tpu.vector_load %arg5[%swap3A_646, %swap3A_647, %swap3A_648, %swap3A_649] {strides = array<i32>} : memref<8x2x8x256xf32, #tpu.memory_space<vmem>>, vector<1x1x1x16xf32>,
        %swap3A_651 = vector.shape_cast %swap3A_650 : vector<1x1x1x16xf32> to vector<16xf32>
        %swap3A_652 = vector.shape_cast %select_n3A_630 : vector<16xf32> to vector<1x1x1x16xf32>
        tpu.vector_store %arg5[%swap3A_646, %swap3A_647, %swap3A_648, %swap3A_649], %swap3A_652 {add = true, strides = array<i32>} : memref<8x2x8x256xf32, #tpu.memory_space<vmem>>, vector<1x1x1x16xf32>,
        %mul3A_653 = arith.constant 16 : i32
        %mul3A_654 = arith.muli %and3A_510, %mul3A_653 : i32
        %swap3A_655 = arith.constant 2 : i32
        %swap3A_656 = arith.constant 1 : i32
        %swap3A_657 = arith.index_cast %swap3A_655 : i32 to index
        %swap3A_658 = arith.index_cast %swap3A_656 : i32 to index
        %swap3A_659 = arith.index_cast %shift_right_logical3A_508 : i32 to index
        %swap3A_660 = arith.index_cast %mul3A_654 : i32 to index
        %swap3A_661 = tpu.vector_load %arg5[%swap3A_657, %swap3A_658, %swap3A_659, %swap3A_660] {strides = array<i32>} : memref<8x2x8x256xf32, #tpu.memory_space<vmem>>, vector<1x1x1x16xf32>,
        %swap3A_662 = vector.shape_cast %swap3A_661 : vector<1x1x1x16xf32> to vector<16xf32>
        %swap3A_663 = vector.shape_cast %select_n3A_630 : vector<16xf32> to vector<1x1x1x16xf32>
        tpu.vector_store %arg5[%swap3A_657, %swap3A_658, %swap3A_659, %swap3A_660], %swap3A_663 {add = true, strides = array<i32>} : memref<8x2x8x256xf32, #tpu.memory_space<vmem>>, vector<1x1x1x16xf32>,
        %mul3A_664 = arith.constant 16 : i32
        %mul3A_665 = arith.muli %and3A_510, %mul3A_664 : i32
        %swap3A_666 = arith.constant 3 : i32
        %swap3A_667 = arith.constant 1 : i32
        %swap3A_668 = arith.index_cast %swap3A_666 : i32 to index
        %swap3A_669 = arith.index_cast %swap3A_667 : i32 to index
        %swap3A_670 = arith.index_cast %shift_right_logical3A_508 : i32 to index
        %swap3A_671 = arith.index_cast %mul3A_665 : i32 to index
        %swap3A_672 = tpu.vector_load %arg5[%swap3A_668, %swap3A_669, %swap3A_670, %swap3A_671] {strides = array<i32>} : memref<8x2x8x256xf32, #tpu.memory_space<vmem>>, vector<1x1x1x16xf32>,
        %swap3A_673 = vector.shape_cast %swap3A_672 : vector<1x1x1x16xf32> to vector<16xf32>
        %swap3A_674 = vector.shape_cast %select_n3A_630 : vector<16xf32> to vector<1x1x1x16xf32>
        tpu.vector_store %arg5[%swap3A_668, %swap3A_669, %swap3A_670, %swap3A_671], %swap3A_674 {add = true, strides = array<i32>} : memref<8x2x8x256xf32, #tpu.memory_space<vmem>>, vector<1x1x1x16xf32>,
        %mul3A_675 = arith.constant 16 : i32
        %mul3A_676 = arith.muli %and3A_510, %mul3A_675 : i32
        %swap3A_677 = arith.constant 4 : i32
        %swap3A_678 = arith.constant 1 : i32
        %swap3A_679 = arith.index_cast %swap3A_677 : i32 to index
        %swap3A_680 = arith.index_cast %swap3A_678 : i32 to index
        %swap3A_681 = arith.index_cast %shift_right_logical3A_508 : i32 to index
        %swap3A_682 = arith.index_cast %mul3A_676 : i32 to index
        %swap3A_683 = tpu.vector_load %arg5[%swap3A_679, %swap3A_680, %swap3A_681, %swap3A_682] {strides = array<i32>} : memref<8x2x8x256xf32, #tpu.memory_space<vmem>>, vector<1x1x1x16xf32>,
        %swap3A_684 = vector.shape_cast %swap3A_683 : vector<1x1x1x16xf32> to vector<16xf32>
        %swap3A_685 = vector.shape_cast %select_n3A_630 : vector<16xf32> to vector<1x1x1x16xf32>
        tpu.vector_store %arg5[%swap3A_679, %swap3A_680, %swap3A_681, %swap3A_682], %swap3A_685 {add = true, strides = array<i32>} : memref<8x2x8x256xf32, #tpu.memory_space<vmem>>, vector<1x1x1x16xf32>,
        %mul3A_686 = arith.constant 16 : i32
        %mul3A_687 = arith.muli %and3A_510, %mul3A_686 : i32
        %swap3A_688 = arith.constant 5 : i32
        %swap3A_689 = arith.constant 1 : i32
        %swap3A_690 = arith.index_cast %swap3A_688 : i32 to index
        %swap3A_691 = arith.index_cast %swap3A_689 : i32 to index
        %swap3A_692 = arith.index_cast %shift_right_logical3A_508 : i32 to index
        %swap3A_693 = arith.index_cast %mul3A_687 : i32 to index
        %swap3A_694 = tpu.vector_load %arg5[%swap3A_690, %swap3A_691, %swap3A_692, %swap3A_693] {strides = array<i32>} : memref<8x2x8x256xf32, #tpu.memory_space<vmem>>, vector<1x1x1x16xf32>,
        %swap3A_695 = vector.shape_cast %swap3A_694 : vector<1x1x1x16xf32> to vector<16xf32>
        %swap3A_696 = vector.shape_cast %select_n3A_630 : vector<16xf32> to vector<1x1x1x16xf32>
        tpu.vector_store %arg5[%swap3A_690, %swap3A_691, %swap3A_692, %swap3A_693], %swap3A_696 {add = true, strides = array<i32>} : memref<8x2x8x256xf32, #tpu.memory_space<vmem>>, vector<1x1x1x16xf32>,
        %mul3A_697 = arith.constant 16 : i32
        %mul3A_698 = arith.muli %and3A_510, %mul3A_697 : i32
        %swap3A_699 = arith.constant 6 : i32
        %swap3A_700 = arith.constant 1 : i32
        %swap3A_701 = arith.index_cast %swap3A_699 : i32 to index
        %swap3A_702 = arith.index_cast %swap3A_700 : i32 to index
        %swap3A_703 = arith.index_cast %shift_right_logical3A_508 : i32 to index
        %swap3A_704 = arith.index_cast %mul3A_698 : i32 to index
        %swap3A_705 = tpu.vector_load %arg5[%swap3A_701, %swap3A_702, %swap3A_703, %swap3A_704] {strides = array<i32>} : memref<8x2x8x256xf32, #tpu.memory_space<vmem>>, vector<1x1x1x16xf32>,
        %swap3A_706 = vector.shape_cast %swap3A_705 : vector<1x1x1x16xf32> to vector<16xf32>
        %swap3A_707 = vector.shape_cast %select_n3A_630 : vector<16xf32> to vector<1x1x1x16xf32>
        tpu.vector_store %arg5[%swap3A_701, %swap3A_702, %swap3A_703, %swap3A_704], %swap3A_707 {add = true, strides = array<i32>} : memref<8x2x8x256xf32, #tpu.memory_space<vmem>>, vector<1x1x1x16xf32>,
        %mul3A_708 = arith.constant 16 : i32
        %mul3A_709 = arith.muli %and3A_510, %mul3A_708 : i32
        %swap3A_710 = arith.constant 7 : i32
        %swap3A_711 = arith.constant 1 : i32
        %swap3A_712 = arith.index_cast %swap3A_710 : i32 to index
        %swap3A_713 = arith.index_cast %swap3A_711 : i32 to index
        %swap3A_714 = arith.index_cast %shift_right_logical3A_508 : i32 to index
        %swap3A_715 = arith.index_cast %mul3A_709 : i32 to index
        %swap3A_716 = tpu.vector_load %arg5[%swap3A_712, %swap3A_713, %swap3A_714, %swap3A_715] {strides = array<i32>} : memref<8x2x8x256xf32, #tpu.memory_space<vmem>>, vector<1x1x1x16xf32>,
        %swap3A_717 = vector.shape_cast %swap3A_716 : vector<1x1x1x16xf32> to vector<16xf32>
        %swap3A_718 = vector.shape_cast %select_n3A_630 : vector<16xf32> to vector<1x1x1x16xf32>
        tpu.vector_store %arg5[%swap3A_712, %swap3A_713, %swap3A_714, %swap3A_715], %swap3A_718 {add = true, strides = array<i32>} : memref<8x2x8x256xf32, #tpu.memory_space<vmem>>, vector<1x1x1x16xf32>,
      }
      %scan3A_189 = arith.constant 128 : i32
      %shift_right_logical3A_190 = arith.constant 1 : i32
      %shift_right_logical3A_191 = arith.shrui %add3A_82, %shift_right_logical3A_190 : i32
      %and3A_192 = arith.constant 1 : i32
      %and3A_193 = arith.andi %add3A_82, %and3A_192 : i32
      %mul3A_194 = arith.constant 8 : i32
      %mul3A_195 = arith.muli %and3A_193, %mul3A_194 : i32
      %mul3A_196 = arith.constant 2 : i32
      %mul3A_197 = arith.muli %mul3A_196, %shift_right_logical3A_191 : i32
      %add3A_198 = arith.addi %mul3A_2, %mul3A_197 : i32
      %dma_start3A_199 = arith.constant 0 : i32
      %dma_start3A_200 = arith.constant 0 : i32
      %dma_start3A_201 = tpu.memref_slice %arg4[%mul3A_195, %add3A_198, %dma_start3A_199, %dma_start3A_200] : memref<16x768x8x256xf32, #tpu.memory_space<hbm>> -> memref<8x2x8x256xf32, #tpu.memory_space<hbm>>
      %dma_start3A_202 = arith.constant 0 : i32
      %dma_start3A_203 = arith.constant 0 : i32
      %dma_start3A_204 = tpu.memref_slice %arg4[%mul3A_195, %add3A_198, %dma_start3A_202, %dma_start3A_203] : memref<16x768x8x256xf32, #tpu.memory_space<hbm>> -> memref<8x2x8x256xf32, #tpu.memory_space<hbm>>
      tpu.enqueue_dma source(%arg5 : memref<8x2x8x256xf32, #tpu.memory_space<vmem>>) target(%dma_start3A_204 : memref<8x2x8x256xf32, #tpu.memory_space<hbm>>) target_semaphore(%arg10 : memref<!tpu.dma_semaphore, #tpu.memory_space<semaphore_mem>>)
      %ge3A = arith.constant 1 : i32
      %ge3A_205 = arith.cmpi sge, %add3A_82, %ge3A : i32
      %add3A_206 = arith.constant 2 : i32
      %add3A_207 = arith.addi %add3A_82, %add3A_206 : i32
      %lt3A = arith.constant 24 : i32
      %lt3A_208 = arith.cmpi slt, %add3A_207, %lt3A : i32
      %and3A_209 = arith.andi %ge3A_205, %lt3A_208 : i1
      %convert_element_type3A = arith.extui %and3A_209 : i1 to i32
      %cond3A = arith.constant 0 : i32
      %cond3A_210 = arith.cmpi ne, %convert_element_type3A, %cond3A : i32
      scf.if %cond3A_210 {
        %dma_wait3A_506 = arith.constant 0 : i32
        %dma_wait3A_507 = arith.constant 0 : i32
        %dma_wait3A_508 = arith.constant 0 : i32
        %dma_wait3A_509 = tpu.memref_slice %arg4[%dma_wait3A_506, %mul3A_2, %dma_wait3A_507, %dma_wait3A_508] : memref<16x768x8x256xf32, #tpu.memory_space<hbm>> -> memref<8x2x8x256xf32, #tpu.memory_space<hbm>>
        %dma_wait3A_510 = arith.constant 0 : i32
        %dma_wait3A_511 = arith.constant 0 : i32
        %dma_wait3A_512 = arith.constant 0 : i32
        %dma_wait3A_513 = tpu.memref_slice %arg4[%dma_wait3A_510, %mul3A_2, %dma_wait3A_511, %dma_wait3A_512] : memref<16x768x8x256xf32, #tpu.memory_space<hbm>> -> memref<8x2x8x256xf32, #tpu.memory_space<hbm>>
        tpu.wait_dma2 semaphore(%arg12 : memref<!tpu.dma_semaphore, #tpu.memory_space<semaphore_mem>>) src(%arg7 : memref<8x2x8x256xf32, #tpu.memory_space<vmem>>) dst(%dma_wait3A_513 : memref<8x2x8x256xf32, #tpu.memory_space<hbm>>)
      } else {
      }
      %add3A_211 = arith.constant 2 : i32
      %add3A_212 = arith.addi %add3A_82, %add3A_211 : i32
      %lt3A_213 = arith.constant 24 : i32
      %lt3A_214 = arith.cmpi slt, %add3A_212, %lt3A_213 : i32
      %convert_element_type3A_215 = arith.extui %lt3A_214 : i1 to i32
      %cond3A_216 = arith.constant 0 : i32
      %cond3A_217 = arith.cmpi ne, %convert_element_type3A_215, %cond3A_216 : i32
      scf.if %cond3A_217 {
        %add3A_506 = arith.constant 2 : i32
        %add3A_507 = arith.addi %add3A_82, %add3A_506 : i32
        %shift_right_logical3A_508 = arith.constant 1 : i32
        %shift_right_logical3A_509 = arith.shrui %add3A_507, %shift_right_logical3A_508 : i32
        %and3A_510 = arith.constant 1 : i32
        %and3A_511 = arith.andi %add3A_507, %and3A_510 : i32
        %mul3A_512 = arith.constant 8 : i32
        %mul3A_513 = arith.muli %and3A_511, %mul3A_512 : i32
        %mul3A_514 = arith.constant 2 : i32
        %mul3A_515 = arith.muli %mul3A_514, %shift_right_logical3A_509 : i32
        %add3A_516 = arith.addi %mul3A_2, %mul3A_515 : i32
        %dma_start3A_517 = arith.constant 0 : i32
        %dma_start3A_518 = arith.constant 0 : i32
        %dma_start3A_519 = tpu.memref_slice %arg2[%mul3A_513, %add3A_516, %dma_start3A_517, %dma_start3A_518] : memref<16x768x8x256xf32, #tpu.memory_space<hbm>> -> memref<8x2x8x256xf32, #tpu.memory_space<hbm>>
        %dma_start3A_520 = arith.constant 0 : i32
        %dma_start3A_521 = arith.constant 0 : i32
        %dma_start3A_522 = tpu.memref_slice %arg2[%mul3A_513, %add3A_516, %dma_start3A_520, %dma_start3A_521] : memref<16x768x8x256xf32, #tpu.memory_space<hbm>> -> memref<8x2x8x256xf32, #tpu.memory_space<hbm>>
        tpu.enqueue_dma source(%dma_start3A_522 : memref<8x2x8x256xf32, #tpu.memory_space<hbm>>) target(%arg7 : memref<8x2x8x256xf32, #tpu.memory_space<vmem>>) target_semaphore(%arg9 : memref<!tpu.dma_semaphore, #tpu.memory_space<semaphore_mem>>)
      } else {
      }
      %mul3A_218 = arith.constant 3 : i32
      %mul3A_219 = arith.muli %scan3A_78, %mul3A_218 : i32
      %add3A_220 = arith.constant 1 : i32
      %add3A_221 = arith.addi %mul3A_219, %add3A_220 : i32
      %dma_wait3A_222 = arith.constant 0 : i32
      %dma_wait3A_223 = arith.constant 0 : i32
      %dma_wait3A_224 = arith.constant 0 : i32
      %dma_wait3A_225 = tpu.memref_slice %arg2[%dma_wait3A_222, %mul3A_2, %dma_wait3A_223, %dma_wait3A_224] : memref<16x768x8x256xf32, #tpu.memory_space<hbm>> -> memref<8x2x8x256xf32, #tpu.memory_space<hbm>>
      %dma_wait3A_226 = arith.constant 0 : i32
      %dma_wait3A_227 = arith.constant 0 : i32
      %dma_wait3A_228 = arith.constant 0 : i32
      %dma_wait3A_229 = tpu.memref_slice %arg2[%dma_wait3A_226, %mul3A_2, %dma_wait3A_227, %dma_wait3A_228] : memref<16x768x8x256xf32, #tpu.memory_space<hbm>> -> memref<8x2x8x256xf32, #tpu.memory_space<hbm>>
      tpu.wait_dma2 semaphore(%arg9 : memref<!tpu.dma_semaphore, #tpu.memory_space<semaphore_mem>>) src(%dma_wait3A_229 : memref<8x2x8x256xf32, #tpu.memory_space<hbm>>) dst(%arg6 : memref<8x2x8x256xf32, #tpu.memory_space<vmem>>)
      %shift_right_logical3A_230 = arith.constant 1 : i32
      %shift_right_logical3A_231 = arith.shrui %add3A_221, %shift_right_logical3A_230 : i32
      %and3A_232 = arith.constant 1 : i32
      %and3A_233 = arith.andi %add3A_221, %and3A_232 : i32
      %mul3A_234 = arith.constant 8 : i32
      %mul3A_235 = arith.muli %and3A_233, %mul3A_234 : i32
      %mul3A_236 = arith.constant 2 : i32
      %mul3A_237 = arith.muli %mul3A_236, %shift_right_logical3A_231 : i32
      %add3A_238 = arith.constant 0 : i32
      %add3A_239 = arith.addi %add3A_238, %mul3A_237 : i32
      %add3A_240 = arith.constant 0 : i32
      %add3A_241 = arith.addi %add3A_239, %add3A_240 : i32
      %mul3A_242 = arith.constant 16 : i32
      %mul3A_243 = arith.muli %add3A_241, %mul3A_242 : i32
      %get3A_244 = arith.index_cast %mul3A_243 : i32 to index
      %get3A_245 = tpu.vector_load %arg8[%get3A_244] {strides = array<i32>} : memref<1536xf32, #tpu.memory_space<vmem>>, vector<16xf32>,
      %get3A_246 = vector.shape_cast %get3A_245 : vector<16xf32> to vector<16xf32>
      %mul3A_247 = arith.constant 2 : i32
      %mul3A_248 = arith.muli %mul3A_247, %shift_right_logical3A_231 : i32
      %add3A_249 = arith.constant 24 : i32
      %add3A_250 = arith.addi %add3A_249, %mul3A_248 : i32
      %add3A_251 = arith.constant 0 : i32
      %add3A_252 = arith.addi %add3A_250, %add3A_251 : i32
      %mul3A_253 = arith.constant 16 : i32
      %mul3A_254 = arith.muli %add3A_252, %mul3A_253 : i32
      %get3A_255 = arith.index_cast %mul3A_254 : i32 to index
      %get3A_256 = tpu.vector_load %arg8[%get3A_255] {strides = array<i32>} : memref<1536xf32, #tpu.memory_space<vmem>>, vector<16xf32>,
      %get3A_257 = vector.shape_cast %get3A_256 : vector<16xf32> to vector<16xf32>
      %mul3A_258 = arith.constant 2 : i32
      %mul3A_259 = arith.muli %mul3A_258, %shift_right_logical3A_231 : i32
      %add3A_260 = arith.constant 48 : i32
      %add3A_261 = arith.addi %add3A_260, %mul3A_259 : i32
      %add3A_262 = arith.constant 0 : i32
      %add3A_263 = arith.addi %add3A_261, %add3A_262 : i32
      %mul3A_264 = arith.constant 16 : i32
      %mul3A_265 = arith.muli %add3A_263, %mul3A_264 : i32
      %get3A_266 = arith.index_cast %mul3A_265 : i32 to index
      %get3A_267 = tpu.vector_load %arg8[%get3A_266] {strides = array<i32>} : memref<1536xf32, #tpu.memory_space<vmem>>, vector<16xf32>,
      %get3A_268 = vector.shape_cast %get3A_267 : vector<16xf32> to vector<16xf32>
      %mul3A_269 = arith.constant 2 : i32
      %mul3A_270 = arith.muli %mul3A_269, %shift_right_logical3A_231 : i32
      %add3A_271 = arith.constant 72 : i32
      %add3A_272 = arith.addi %add3A_271, %mul3A_270 : i32
      %add3A_273 = arith.constant 0 : i32
      %add3A_274 = arith.addi %add3A_272, %add3A_273 : i32
      %mul3A_275 = arith.constant 16 : i32
      %mul3A_276 = arith.muli %add3A_274, %mul3A_275 : i32
      %get3A_277 = arith.index_cast %mul3A_276 : i32 to index
      %get3A_278 = tpu.vector_load %arg8[%get3A_277] {strides = array<i32>} : memref<1536xf32, #tpu.memory_space<vmem>>, vector<16xf32>,
      %get3A_279 = vector.shape_cast %get3A_278 : vector<16xf32> to vector<16xf32>
      %mul3A_280 = arith.constant 2 : i32
      %mul3A_281 = arith.muli %mul3A_280, %shift_right_logical3A_231 : i32
      %add3A_282 = arith.constant 0 : i32
      %add3A_283 = arith.addi %add3A_282, %mul3A_281 : i32
      %add3A_284 = arith.constant 1 : i32
      %add3A_285 = arith.addi %add3A_283, %add3A_284 : i32
      %mul3A_286 = arith.constant 16 : i32
      %mul3A_287 = arith.muli %add3A_285, %mul3A_286 : i32
      %get3A_288 = arith.index_cast %mul3A_287 : i32 to index
      %get3A_289 = tpu.vector_load %arg8[%get3A_288] {strides = array<i32>} : memref<1536xf32, #tpu.memory_space<vmem>>, vector<16xf32>,
      %get3A_290 = vector.shape_cast %get3A_289 : vector<16xf32> to vector<16xf32>
      %mul3A_291 = arith.constant 2 : i32
      %mul3A_292 = arith.muli %mul3A_291, %shift_right_logical3A_231 : i32
      %add3A_293 = arith.constant 24 : i32
      %add3A_294 = arith.addi %add3A_293, %mul3A_292 : i32
      %add3A_295 = arith.constant 1 : i32
      %add3A_296 = arith.addi %add3A_294, %add3A_295 : i32
      %mul3A_297 = arith.constant 16 : i32
      %mul3A_298 = arith.muli %add3A_296, %mul3A_297 : i32
      %get3A_299 = arith.index_cast %mul3A_298 : i32 to index
      %get3A_300 = tpu.vector_load %arg8[%get3A_299] {strides = array<i32>} : memref<1536xf32, #tpu.memory_space<vmem>>, vector<16xf32>,
      %get3A_301 = vector.shape_cast %get3A_300 : vector<16xf32> to vector<16xf32>
      %mul3A_302 = arith.constant 2 : i32
      %mul3A_303 = arith.muli %mul3A_302, %shift_right_logical3A_231 : i32
      %add3A_304 = arith.constant 48 : i32
      %add3A_305 = arith.addi %add3A_304, %mul3A_303 : i32
      %add3A_306 = arith.constant 1 : i32
      %add3A_307 = arith.addi %add3A_305, %add3A_306 : i32
      %mul3A_308 = arith.constant 16 : i32
      %mul3A_309 = arith.muli %add3A_307, %mul3A_308 : i32
      %get3A_310 = arith.index_cast %mul3A_309 : i32 to index
      %get3A_311 = tpu.vector_load %arg8[%get3A_310] {strides = array<i32>} : memref<1536xf32, #tpu.memory_space<vmem>>, vector<16xf32>,
      %get3A_312 = vector.shape_cast %get3A_311 : vector<16xf32> to vector<16xf32>
      %mul3A_313 = arith.constant 2 : i32
      %mul3A_314 = arith.muli %mul3A_313, %shift_right_logical3A_231 : i32
      %add3A_315 = arith.constant 72 : i32
      %add3A_316 = arith.addi %add3A_315, %mul3A_314 : i32
      %add3A_317 = arith.constant 1 : i32
      %add3A_318 = arith.addi %add3A_316, %add3A_317 : i32
      %mul3A_319 = arith.constant 16 : i32
      %mul3A_320 = arith.muli %add3A_318, %mul3A_319 : i32
      %get3A_321 = arith.index_cast %mul3A_320 : i32 to index
      %get3A_322 = tpu.vector_load %arg8[%get3A_321] {strides = array<i32>} : memref<1536xf32, #tpu.memory_space<vmem>>, vector<16xf32>,
      %get3A_323 = vector.shape_cast %get3A_322 : vector<16xf32> to vector<16xf32>
      %scan3A_324 = arith.constant 0 : i32
      %scan3A_325 = arith.constant 0 : i32
      %scan3A_326 = arith.constant 128 : i32
      %scan3A_327 = arith.addi %scan3A_325, %scan3A_326 : i32
      %scan3A_328 = arith.constant 1 : i32
      scf.for %scan3A_506 = %scan3A_325 to %scan3A_327 step %scan3A_328  : i32 {
        %shift_right_logical3A_507 = arith.constant 4 : i32
        %shift_right_logical3A_508 = arith.shrui %scan3A_506, %shift_right_logical3A_507 : i32
        %and3A_509 = arith.constant 15 : i32
        %and3A_510 = arith.andi %scan3A_506, %and3A_509 : i32
        %mul3A_511 = arith.constant 16 : i32
        %mul3A_512 = arith.muli %and3A_510, %mul3A_511 : i32
        %add3A_513 = vector.broadcast %mul3A_512 : i32 to vector<16xi32>
        %add3A_514 = arith.addi %add3A_513, %iota3A : vector<16xi32>
        %sub3A = arith.constant 7 : i32
        %sub3A_515 = arith.subi %sub3A, %shift_right_logical3A_508 : i32
        %min3A = arith.minsi %shift_right_logical3A_508, %sub3A_515 : i32
        %sub3A_516 = arith.constant 255 : i32
        %sub3A_517 = vector.broadcast %sub3A_516 : i32 to vector<16xi32>
        %sub3A_518 = arith.subi %sub3A_517, %add3A_514 : vector<16xi32>
        %min3A_519 = arith.minsi %add3A_514, %sub3A_518 : vector<16xi32>
        %min3A_520 = vector.broadcast %min3A : i32 to vector<16xi32>
        %min3A_521 = arith.minsi %min3A_520, %min3A_519 : vector<16xi32>
        %eq3A = arith.constant 0 : i32
        %eq3A_522 = vector.broadcast %eq3A : i32 to vector<16xi32>
        %eq3A_523 = arith.cmpi eq, %min3A_521, %eq3A_522 : vector<16xi32>
        %eq3A_524 = arith.constant 1 : i32
        %eq3A_525 = vector.broadcast %eq3A_524 : i32 to vector<16xi32>
        %eq3A_526 = arith.cmpi eq, %min3A_521, %eq3A_525 : vector<16xi32>
        %eq3A_527 = arith.constant 2 : i32
        %eq3A_528 = vector.broadcast %eq3A_527 : i32 to vector<16xi32>
        %eq3A_529 = arith.cmpi eq, %min3A_521, %eq3A_528 : vector<16xi32>
        %select_n3A = arith.select %eq3A_529, %get3A_268, %get3A_279 : vector<16xi1>, vector<16xf32>
        %select_n3A_530 = arith.select %eq3A_526, %get3A_257, %select_n3A : vector<16xi1>, vector<16xf32>
        %select_n3A_531 = arith.select %eq3A_523, %get3A_246, %select_n3A_530 : vector<16xi1>, vector<16xf32>
        %mul3A_532 = arith.constant 16 : i32
        %mul3A_533 = arith.muli %and3A_510, %mul3A_532 : i32
        %swap3A = arith.constant 0 : i32
        %swap3A_534 = arith.constant 0 : i32
        %swap3A_535 = arith.index_cast %swap3A : i32 to index
        %swap3A_536 = arith.index_cast %swap3A_534 : i32 to index
        %swap3A_537 = arith.index_cast %shift_right_logical3A_508 : i32 to index
        %swap3A_538 = arith.index_cast %mul3A_533 : i32 to index
        %swap3A_539 = tpu.vector_load %arg6[%swap3A_535, %swap3A_536, %swap3A_537, %swap3A_538] {strides = array<i32>} : memref<8x2x8x256xf32, #tpu.memory_space<vmem>>, vector<1x1x1x16xf32>,
        %swap3A_540 = vector.shape_cast %swap3A_539 : vector<1x1x1x16xf32> to vector<16xf32>
        %swap3A_541 = vector.shape_cast %select_n3A_531 : vector<16xf32> to vector<1x1x1x16xf32>
        tpu.vector_store %arg6[%swap3A_535, %swap3A_536, %swap3A_537, %swap3A_538], %swap3A_541 {add = true, strides = array<i32>} : memref<8x2x8x256xf32, #tpu.memory_space<vmem>>, vector<1x1x1x16xf32>,
        %mul3A_542 = arith.constant 16 : i32
        %mul3A_543 = arith.muli %and3A_510, %mul3A_542 : i32
        %swap3A_544 = arith.constant 1 : i32
        %swap3A_545 = arith.constant 0 : i32
        %swap3A_546 = arith.index_cast %swap3A_544 : i32 to index
        %swap3A_547 = arith.index_cast %swap3A_545 : i32 to index
        %swap3A_548 = arith.index_cast %shift_right_logical3A_508 : i32 to index
        %swap3A_549 = arith.index_cast %mul3A_543 : i32 to index
        %swap3A_550 = tpu.vector_load %arg6[%swap3A_546, %swap3A_547, %swap3A_548, %swap3A_549] {strides = array<i32>} : memref<8x2x8x256xf32, #tpu.memory_space<vmem>>, vector<1x1x1x16xf32>,
        %swap3A_551 = vector.shape_cast %swap3A_550 : vector<1x1x1x16xf32> to vector<16xf32>
        %swap3A_552 = vector.shape_cast %select_n3A_531 : vector<16xf32> to vector<1x1x1x16xf32>
        tpu.vector_store %arg6[%swap3A_546, %swap3A_547, %swap3A_548, %swap3A_549], %swap3A_552 {add = true, strides = array<i32>} : memref<8x2x8x256xf32, #tpu.memory_space<vmem>>, vector<1x1x1x16xf32>,
        %mul3A_553 = arith.constant 16 : i32
        %mul3A_554 = arith.muli %and3A_510, %mul3A_553 : i32
        %swap3A_555 = arith.constant 2 : i32
        %swap3A_556 = arith.constant 0 : i32
        %swap3A_557 = arith.index_cast %swap3A_555 : i32 to index
        %swap3A_558 = arith.index_cast %swap3A_556 : i32 to index
        %swap3A_559 = arith.index_cast %shift_right_logical3A_508 : i32 to index
        %swap3A_560 = arith.index_cast %mul3A_554 : i32 to index
        %swap3A_561 = tpu.vector_load %arg6[%swap3A_557, %swap3A_558, %swap3A_559, %swap3A_560] {strides = array<i32>} : memref<8x2x8x256xf32, #tpu.memory_space<vmem>>, vector<1x1x1x16xf32>,
        %swap3A_562 = vector.shape_cast %swap3A_561 : vector<1x1x1x16xf32> to vector<16xf32>
        %swap3A_563 = vector.shape_cast %select_n3A_531 : vector<16xf32> to vector<1x1x1x16xf32>
        tpu.vector_store %arg6[%swap3A_557, %swap3A_558, %swap3A_559, %swap3A_560], %swap3A_563 {add = true, strides = array<i32>} : memref<8x2x8x256xf32, #tpu.memory_space<vmem>>, vector<1x1x1x16xf32>,
        %mul3A_564 = arith.constant 16 : i32
        %mul3A_565 = arith.muli %and3A_510, %mul3A_564 : i32
        %swap3A_566 = arith.constant 3 : i32
        %swap3A_567 = arith.constant 0 : i32
        %swap3A_568 = arith.index_cast %swap3A_566 : i32 to index
        %swap3A_569 = arith.index_cast %swap3A_567 : i32 to index
        %swap3A_570 = arith.index_cast %shift_right_logical3A_508 : i32 to index
        %swap3A_571 = arith.index_cast %mul3A_565 : i32 to index
        %swap3A_572 = tpu.vector_load %arg6[%swap3A_568, %swap3A_569, %swap3A_570, %swap3A_571] {strides = array<i32>} : memref<8x2x8x256xf32, #tpu.memory_space<vmem>>, vector<1x1x1x16xf32>,
        %swap3A_573 = vector.shape_cast %swap3A_572 : vector<1x1x1x16xf32> to vector<16xf32>
        %swap3A_574 = vector.shape_cast %select_n3A_531 : vector<16xf32> to vector<1x1x1x16xf32>
        tpu.vector_store %arg6[%swap3A_568, %swap3A_569, %swap3A_570, %swap3A_571], %swap3A_574 {add = true, strides = array<i32>} : memref<8x2x8x256xf32, #tpu.memory_space<vmem>>, vector<1x1x1x16xf32>,
        %mul3A_575 = arith.constant 16 : i32
        %mul3A_576 = arith.muli %and3A_510, %mul3A_575 : i32
        %swap3A_577 = arith.constant 4 : i32
        %swap3A_578 = arith.constant 0 : i32
        %swap3A_579 = arith.index_cast %swap3A_577 : i32 to index
        %swap3A_580 = arith.index_cast %swap3A_578 : i32 to index
        %swap3A_581 = arith.index_cast %shift_right_logical3A_508 : i32 to index
        %swap3A_582 = arith.index_cast %mul3A_576 : i32 to index
        %swap3A_583 = tpu.vector_load %arg6[%swap3A_579, %swap3A_580, %swap3A_581, %swap3A_582] {strides = array<i32>} : memref<8x2x8x256xf32, #tpu.memory_space<vmem>>, vector<1x1x1x16xf32>,
        %swap3A_584 = vector.shape_cast %swap3A_583 : vector<1x1x1x16xf32> to vector<16xf32>
        %swap3A_585 = vector.shape_cast %select_n3A_531 : vector<16xf32> to vector<1x1x1x16xf32>
        tpu.vector_store %arg6[%swap3A_579, %swap3A_580, %swap3A_581, %swap3A_582], %swap3A_585 {add = true, strides = array<i32>} : memref<8x2x8x256xf32, #tpu.memory_space<vmem>>, vector<1x1x1x16xf32>,
        %mul3A_586 = arith.constant 16 : i32
        %mul3A_587 = arith.muli %and3A_510, %mul3A_586 : i32
        %swap3A_588 = arith.constant 5 : i32
        %swap3A_589 = arith.constant 0 : i32
        %swap3A_590 = arith.index_cast %swap3A_588 : i32 to index
        %swap3A_591 = arith.index_cast %swap3A_589 : i32 to index
        %swap3A_592 = arith.index_cast %shift_right_logical3A_508 : i32 to index
        %swap3A_593 = arith.index_cast %mul3A_587 : i32 to index
        %swap3A_594 = tpu.vector_load %arg6[%swap3A_590, %swap3A_591, %swap3A_592, %swap3A_593] {strides = array<i32>} : memref<8x2x8x256xf32, #tpu.memory_space<vmem>>, vector<1x1x1x16xf32>,
        %swap3A_595 = vector.shape_cast %swap3A_594 : vector<1x1x1x16xf32> to vector<16xf32>
        %swap3A_596 = vector.shape_cast %select_n3A_531 : vector<16xf32> to vector<1x1x1x16xf32>
        tpu.vector_store %arg6[%swap3A_590, %swap3A_591, %swap3A_592, %swap3A_593], %swap3A_596 {add = true, strides = array<i32>} : memref<8x2x8x256xf32, #tpu.memory_space<vmem>>, vector<1x1x1x16xf32>,
        %mul3A_597 = arith.constant 16 : i32
        %mul3A_598 = arith.muli %and3A_510, %mul3A_597 : i32
        %swap3A_599 = arith.constant 6 : i32
        %swap3A_600 = arith.constant 0 : i32
        %swap3A_601 = arith.index_cast %swap3A_599 : i32 to index
        %swap3A_602 = arith.index_cast %swap3A_600 : i32 to index
        %swap3A_603 = arith.index_cast %shift_right_logical3A_508 : i32 to index
        %swap3A_604 = arith.index_cast %mul3A_598 : i32 to index
        %swap3A_605 = tpu.vector_load %arg6[%swap3A_601, %swap3A_602, %swap3A_603, %swap3A_604] {strides = array<i32>} : memref<8x2x8x256xf32, #tpu.memory_space<vmem>>, vector<1x1x1x16xf32>,
        %swap3A_606 = vector.shape_cast %swap3A_605 : vector<1x1x1x16xf32> to vector<16xf32>
        %swap3A_607 = vector.shape_cast %select_n3A_531 : vector<16xf32> to vector<1x1x1x16xf32>
        tpu.vector_store %arg6[%swap3A_601, %swap3A_602, %swap3A_603, %swap3A_604], %swap3A_607 {add = true, strides = array<i32>} : memref<8x2x8x256xf32, #tpu.memory_space<vmem>>, vector<1x1x1x16xf32>,
        %mul3A_608 = arith.constant 16 : i32
        %mul3A_609 = arith.muli %and3A_510, %mul3A_608 : i32
        %swap3A_610 = arith.constant 7 : i32
        %swap3A_611 = arith.constant 0 : i32
        %swap3A_612 = arith.index_cast %swap3A_610 : i32 to index
        %swap3A_613 = arith.index_cast %swap3A_611 : i32 to index
        %swap3A_614 = arith.index_cast %shift_right_logical3A_508 : i32 to index
        %swap3A_615 = arith.index_cast %mul3A_609 : i32 to index
        %swap3A_616 = tpu.vector_load %arg6[%swap3A_612, %swap3A_613, %swap3A_614, %swap3A_615] {strides = array<i32>} : memref<8x2x8x256xf32, #tpu.memory_space<vmem>>, vector<1x1x1x16xf32>,
        %swap3A_617 = vector.shape_cast %swap3A_616 : vector<1x1x1x16xf32> to vector<16xf32>
        %swap3A_618 = vector.shape_cast %select_n3A_531 : vector<16xf32> to vector<1x1x1x16xf32>
        tpu.vector_store %arg6[%swap3A_612, %swap3A_613, %swap3A_614, %swap3A_615], %swap3A_618 {add = true, strides = array<i32>} : memref<8x2x8x256xf32, #tpu.memory_space<vmem>>, vector<1x1x1x16xf32>,
        %eq3A_619 = arith.constant 0 : i32
        %eq3A_620 = vector.broadcast %eq3A_619 : i32 to vector<16xi32>
        %eq3A_621 = arith.cmpi eq, %min3A_521, %eq3A_620 : vector<16xi32>
        %eq3A_622 = arith.constant 1 : i32
        %eq3A_623 = vector.broadcast %eq3A_622 : i32 to vector<16xi32>
        %eq3A_624 = arith.cmpi eq, %min3A_521, %eq3A_623 : vector<16xi32>
        %eq3A_625 = arith.constant 2 : i32
        %eq3A_626 = vector.broadcast %eq3A_625 : i32 to vector<16xi32>
        %eq3A_627 = arith.cmpi eq, %min3A_521, %eq3A_626 : vector<16xi32>
        %select_n3A_628 = arith.select %eq3A_627, %get3A_312, %get3A_323 : vector<16xi1>, vector<16xf32>
        %select_n3A_629 = arith.select %eq3A_624, %get3A_301, %select_n3A_628 : vector<16xi1>, vector<16xf32>
        %select_n3A_630 = arith.select %eq3A_621, %get3A_290, %select_n3A_629 : vector<16xi1>, vector<16xf32>
        %mul3A_631 = arith.constant 16 : i32
        %mul3A_632 = arith.muli %and3A_510, %mul3A_631 : i32
        %swap3A_633 = arith.constant 0 : i32
        %swap3A_634 = arith.constant 1 : i32
        %swap3A_635 = arith.index_cast %swap3A_633 : i32 to index
        %swap3A_636 = arith.index_cast %swap3A_634 : i32 to index
        %swap3A_637 = arith.index_cast %shift_right_logical3A_508 : i32 to index
        %swap3A_638 = arith.index_cast %mul3A_632 : i32 to index
        %swap3A_639 = tpu.vector_load %arg6[%swap3A_635, %swap3A_636, %swap3A_637, %swap3A_638] {strides = array<i32>} : memref<8x2x8x256xf32, #tpu.memory_space<vmem>>, vector<1x1x1x16xf32>,
        %swap3A_640 = vector.shape_cast %swap3A_639 : vector<1x1x1x16xf32> to vector<16xf32>
        %swap3A_641 = vector.shape_cast %select_n3A_630 : vector<16xf32> to vector<1x1x1x16xf32>
        tpu.vector_store %arg6[%swap3A_635, %swap3A_636, %swap3A_637, %swap3A_638], %swap3A_641 {add = true, strides = array<i32>} : memref<8x2x8x256xf32, #tpu.memory_space<vmem>>, vector<1x1x1x16xf32>,
        %mul3A_642 = arith.constant 16 : i32
        %mul3A_643 = arith.muli %and3A_510, %mul3A_642 : i32
        %swap3A_644 = arith.constant 1 : i32
        %swap3A_645 = arith.constant 1 : i32
        %swap3A_646 = arith.index_cast %swap3A_644 : i32 to index
        %swap3A_647 = arith.index_cast %swap3A_645 : i32 to index
        %swap3A_648 = arith.index_cast %shift_right_logical3A_508 : i32 to index
        %swap3A_649 = arith.index_cast %mul3A_643 : i32 to index
        %swap3A_650 = tpu.vector_load %arg6[%swap3A_646, %swap3A_647, %swap3A_648, %swap3A_649] {strides = array<i32>} : memref<8x2x8x256xf32, #tpu.memory_space<vmem>>, vector<1x1x1x16xf32>,
        %swap3A_651 = vector.shape_cast %swap3A_650 : vector<1x1x1x16xf32> to vector<16xf32>
        %swap3A_652 = vector.shape_cast %select_n3A_630 : vector<16xf32> to vector<1x1x1x16xf32>
        tpu.vector_store %arg6[%swap3A_646, %swap3A_647, %swap3A_648, %swap3A_649], %swap3A_652 {add = true, strides = array<i32>} : memref<8x2x8x256xf32, #tpu.memory_space<vmem>>, vector<1x1x1x16xf32>,
        %mul3A_653 = arith.constant 16 : i32
        %mul3A_654 = arith.muli %and3A_510, %mul3A_653 : i32
        %swap3A_655 = arith.constant 2 : i32
        %swap3A_656 = arith.constant 1 : i32
        %swap3A_657 = arith.index_cast %swap3A_655 : i32 to index
        %swap3A_658 = arith.index_cast %swap3A_656 : i32 to index
        %swap3A_659 = arith.index_cast %shift_right_logical3A_508 : i32 to index
        %swap3A_660 = arith.index_cast %mul3A_654 : i32 to index
        %swap3A_661 = tpu.vector_load %arg6[%swap3A_657, %swap3A_658, %swap3A_659, %swap3A_660] {strides = array<i32>} : memref<8x2x8x256xf32, #tpu.memory_space<vmem>>, vector<1x1x1x16xf32>,
        %swap3A_662 = vector.shape_cast %swap3A_661 : vector<1x1x1x16xf32> to vector<16xf32>
        %swap3A_663 = vector.shape_cast %select_n3A_630 : vector<16xf32> to vector<1x1x1x16xf32>
        tpu.vector_store %arg6[%swap3A_657, %swap3A_658, %swap3A_659, %swap3A_660], %swap3A_663 {add = true, strides = array<i32>} : memref<8x2x8x256xf32, #tpu.memory_space<vmem>>, vector<1x1x1x16xf32>,
        %mul3A_664 = arith.constant 16 : i32
        %mul3A_665 = arith.muli %and3A_510, %mul3A_664 : i32
        %swap3A_666 = arith.constant 3 : i32
        %swap3A_667 = arith.constant 1 : i32
        %swap3A_668 = arith.index_cast %swap3A_666 : i32 to index
        %swap3A_669 = arith.index_cast %swap3A_667 : i32 to index
        %swap3A_670 = arith.index_cast %shift_right_logical3A_508 : i32 to index
        %swap3A_671 = arith.index_cast %mul3A_665 : i32 to index
        %swap3A_672 = tpu.vector_load %arg6[%swap3A_668, %swap3A_669, %swap3A_670, %swap3A_671] {strides = array<i32>} : memref<8x2x8x256xf32, #tpu.memory_space<vmem>>, vector<1x1x1x16xf32>,
        %swap3A_673 = vector.shape_cast %swap3A_672 : vector<1x1x1x16xf32> to vector<16xf32>
        %swap3A_674 = vector.shape_cast %select_n3A_630 : vector<16xf32> to vector<1x1x1x16xf32>
        tpu.vector_store %arg6[%swap3A_668, %swap3A_669, %swap3A_670, %swap3A_671], %swap3A_674 {add = true, strides = array<i32>} : memref<8x2x8x256xf32, #tpu.memory_space<vmem>>, vector<1x1x1x16xf32>,
        %mul3A_675 = arith.constant 16 : i32
        %mul3A_676 = arith.muli %and3A_510, %mul3A_675 : i32
        %swap3A_677 = arith.constant 4 : i32
        %swap3A_678 = arith.constant 1 : i32
        %swap3A_679 = arith.index_cast %swap3A_677 : i32 to index
        %swap3A_680 = arith.index_cast %swap3A_678 : i32 to index
        %swap3A_681 = arith.index_cast %shift_right_logical3A_508 : i32 to index
        %swap3A_682 = arith.index_cast %mul3A_676 : i32 to index
        %swap3A_683 = tpu.vector_load %arg6[%swap3A_679, %swap3A_680, %swap3A_681, %swap3A_682] {strides = array<i32>} : memref<8x2x8x256xf32, #tpu.memory_space<vmem>>, vector<1x1x1x16xf32>,
        %swap3A_684 = vector.shape_cast %swap3A_683 : vector<1x1x1x16xf32> to vector<16xf32>
        %swap3A_685 = vector.shape_cast %select_n3A_630 : vector<16xf32> to vector<1x1x1x16xf32>
        tpu.vector_store %arg6[%swap3A_679, %swap3A_680, %swap3A_681, %swap3A_682], %swap3A_685 {add = true, strides = array<i32>} : memref<8x2x8x256xf32, #tpu.memory_space<vmem>>, vector<1x1x1x16xf32>,
        %mul3A_686 = arith.constant 16 : i32
        %mul3A_687 = arith.muli %and3A_510, %mul3A_686 : i32
        %swap3A_688 = arith.constant 5 : i32
        %swap3A_689 = arith.constant 1 : i32
        %swap3A_690 = arith.index_cast %swap3A_688 : i32 to index
        %swap3A_691 = arith.index_cast %swap3A_689 : i32 to index
        %swap3A_692 = arith.index_cast %shift_right_logical3A_508 : i32 to index
        %swap3A_693 = arith.index_cast %mul3A_687 : i32 to index
        %swap3A_694 = tpu.vector_load %arg6[%swap3A_690, %swap3A_691, %swap3A_692, %swap3A_693] {strides = array<i32>} : memref<8x2x8x256xf32, #tpu.memory_space<vmem>>, vector<1x1x1x16xf32>,
        %swap3A_695 = vector.shape_cast %swap3A_694 : vector<1x1x1x16xf32> to vector<16xf32>
        %swap3A_696 = vector.shape_cast %select_n3A_630 : vector<16xf32> to vector<1x1x1x16xf32>
        tpu.vector_store %arg6[%swap3A_690, %swap3A_691, %swap3A_692, %swap3A_693], %swap3A_696 {add = true, strides = array<i32>} : memref<8x2x8x256xf32, #tpu.memory_space<vmem>>, vector<1x1x1x16xf32>,
        %mul3A_697 = arith.constant 16 : i32
        %mul3A_698 = arith.muli %and3A_510, %mul3A_697 : i32
        %swap3A_699 = arith.constant 6 : i32
        %swap3A_700 = arith.constant 1 : i32
        %swap3A_701 = arith.index_cast %swap3A_699 : i32 to index
        %swap3A_702 = arith.index_cast %swap3A_700 : i32 to index
        %swap3A_703 = arith.index_cast %shift_right_logical3A_508 : i32 to index
        %swap3A_704 = arith.index_cast %mul3A_698 : i32 to index
        %swap3A_705 = tpu.vector_load %arg6[%swap3A_701, %swap3A_702, %swap3A_703, %swap3A_704] {strides = array<i32>} : memref<8x2x8x256xf32, #tpu.memory_space<vmem>>, vector<1x1x1x16xf32>,
        %swap3A_706 = vector.shape_cast %swap3A_705 : vector<1x1x1x16xf32> to vector<16xf32>
        %swap3A_707 = vector.shape_cast %select_n3A_630 : vector<16xf32> to vector<1x1x1x16xf32>
        tpu.vector_store %arg6[%swap3A_701, %swap3A_702, %swap3A_703, %swap3A_704], %swap3A_707 {add = true, strides = array<i32>} : memref<8x2x8x256xf32, #tpu.memory_space<vmem>>, vector<1x1x1x16xf32>,
        %mul3A_708 = arith.constant 16 : i32
        %mul3A_709 = arith.muli %and3A_510, %mul3A_708 : i32
        %swap3A_710 = arith.constant 7 : i32
        %swap3A_711 = arith.constant 1 : i32
        %swap3A_712 = arith.index_cast %swap3A_710 : i32 to index
        %swap3A_713 = arith.index_cast %swap3A_711 : i32 to index
        %swap3A_714 = arith.index_cast %shift_right_logical3A_508 : i32 to index
        %swap3A_715 = arith.index_cast %mul3A_709 : i32 to index
        %swap3A_716 = tpu.vector_load %arg6[%swap3A_712, %swap3A_713, %swap3A_714, %swap3A_715] {strides = array<i32>} : memref<8x2x8x256xf32, #tpu.memory_space<vmem>>, vector<1x1x1x16xf32>,
        %swap3A_717 = vector.shape_cast %swap3A_716 : vector<1x1x1x16xf32> to vector<16xf32>
        %swap3A_718 = vector.shape_cast %select_n3A_630 : vector<16xf32> to vector<1x1x1x16xf32>
        tpu.vector_store %arg6[%swap3A_712, %swap3A_713, %swap3A_714, %swap3A_715], %swap3A_718 {add = true, strides = array<i32>} : memref<8x2x8x256xf32, #tpu.memory_space<vmem>>, vector<1x1x1x16xf32>,
      }
      %scan3A_329 = arith.constant 128 : i32
      %shift_right_logical3A_330 = arith.constant 1 : i32
      %shift_right_logical3A_331 = arith.shrui %add3A_221, %shift_right_logical3A_330 : i32
      %and3A_332 = arith.constant 1 : i32
      %and3A_333 = arith.andi %add3A_221, %and3A_332 : i32
      %mul3A_334 = arith.constant 8 : i32
      %mul3A_335 = arith.muli %and3A_333, %mul3A_334 : i32
      %mul3A_336 = arith.constant 2 : i32
      %mul3A_337 = arith.muli %mul3A_336, %shift_right_logical3A_331 : i32
      %add3A_338 = arith.addi %mul3A_2, %mul3A_337 : i32
      %dma_start3A_339 = arith.constant 0 : i32
      %dma_start3A_340 = arith.constant 0 : i32
      %dma_start3A_341 = tpu.memref_slice %arg4[%mul3A_335, %add3A_338, %dma_start3A_339, %dma_start3A_340] : memref<16x768x8x256xf32, #tpu.memory_space<hbm>> -> memref<8x2x8x256xf32, #tpu.memory_space<hbm>>
      %dma_start3A_342 = arith.constant 0 : i32
      %dma_start3A_343 = arith.constant 0 : i32
      %dma_start3A_344 = tpu.memref_slice %arg4[%mul3A_335, %add3A_338, %dma_start3A_342, %dma_start3A_343] : memref<16x768x8x256xf32, #tpu.memory_space<hbm>> -> memref<8x2x8x256xf32, #tpu.memory_space<hbm>>
      tpu.enqueue_dma source(%arg6 : memref<8x2x8x256xf32, #tpu.memory_space<vmem>>) target(%dma_start3A_344 : memref<8x2x8x256xf32, #tpu.memory_space<hbm>>) target_semaphore(%arg11 : memref<!tpu.dma_semaphore, #tpu.memory_space<semaphore_mem>>)
      %ge3A_345 = arith.constant 1 : i32
      %ge3A_346 = arith.cmpi sge, %add3A_221, %ge3A_345 : i32
      %add3A_347 = arith.constant 2 : i32
      %add3A_348 = arith.addi %add3A_221, %add3A_347 : i32
      %lt3A_349 = arith.constant 24 : i32
      %lt3A_350 = arith.cmpi slt, %add3A_348, %lt3A_349 : i32
      %and3A_351 = arith.andi %ge3A_346, %lt3A_350 : i1
      %convert_element_type3A_352 = arith.extui %and3A_351 : i1 to i32
      %cond3A_353 = arith.constant 0 : i32
      %cond3A_354 = arith.cmpi ne, %convert_element_type3A_352, %cond3A_353 : i32
      scf.if %cond3A_354 {
        %dma_wait3A_506 = arith.constant 0 : i32
        %dma_wait3A_507 = arith.constant 0 : i32
        %dma_wait3A_508 = arith.constant 0 : i32
        %dma_wait3A_509 = tpu.memref_slice %arg4[%dma_wait3A_506, %mul3A_2, %dma_wait3A_507, %dma_wait3A_508] : memref<16x768x8x256xf32, #tpu.memory_space<hbm>> -> memref<8x2x8x256xf32, #tpu.memory_space<hbm>>
        %dma_wait3A_510 = arith.constant 0 : i32
        %dma_wait3A_511 = arith.constant 0 : i32
        %dma_wait3A_512 = arith.constant 0 : i32
        %dma_wait3A_513 = tpu.memref_slice %arg4[%dma_wait3A_510, %mul3A_2, %dma_wait3A_511, %dma_wait3A_512] : memref<16x768x8x256xf32, #tpu.memory_space<hbm>> -> memref<8x2x8x256xf32, #tpu.memory_space<hbm>>
        tpu.wait_dma2 semaphore(%arg10 : memref<!tpu.dma_semaphore, #tpu.memory_space<semaphore_mem>>) src(%arg5 : memref<8x2x8x256xf32, #tpu.memory_space<vmem>>) dst(%dma_wait3A_513 : memref<8x2x8x256xf32, #tpu.memory_space<hbm>>)
      } else {
      }
      %add3A_355 = arith.constant 2 : i32
      %add3A_356 = arith.addi %add3A_221, %add3A_355 : i32
      %lt3A_357 = arith.constant 24 : i32
      %lt3A_358 = arith.cmpi slt, %add3A_356, %lt3A_357 : i32
      %convert_element_type3A_359 = arith.extui %lt3A_358 : i1 to i32
      %cond3A_360 = arith.constant 0 : i32
      %cond3A_361 = arith.cmpi ne, %convert_element_type3A_359, %cond3A_360 : i32
      scf.if %cond3A_361 {
        %add3A_506 = arith.constant 2 : i32
        %add3A_507 = arith.addi %add3A_221, %add3A_506 : i32
        %shift_right_logical3A_508 = arith.constant 1 : i32
        %shift_right_logical3A_509 = arith.shrui %add3A_507, %shift_right_logical3A_508 : i32
        %and3A_510 = arith.constant 1 : i32
        %and3A_511 = arith.andi %add3A_507, %and3A_510 : i32
        %mul3A_512 = arith.constant 8 : i32
        %mul3A_513 = arith.muli %and3A_511, %mul3A_512 : i32
        %mul3A_514 = arith.constant 2 : i32
        %mul3A_515 = arith.muli %mul3A_514, %shift_right_logical3A_509 : i32
        %add3A_516 = arith.addi %mul3A_2, %mul3A_515 : i32
        %dma_start3A_517 = arith.constant 0 : i32
        %dma_start3A_518 = arith.constant 0 : i32
        %dma_start3A_519 = tpu.memref_slice %arg2[%mul3A_513, %add3A_516, %dma_start3A_517, %dma_start3A_518] : memref<16x768x8x256xf32, #tpu.memory_space<hbm>> -> memref<8x2x8x256xf32, #tpu.memory_space<hbm>>
        %dma_start3A_520 = arith.constant 0 : i32
        %dma_start3A_521 = arith.constant 0 : i32
        %dma_start3A_522 = tpu.memref_slice %arg2[%mul3A_513, %add3A_516, %dma_start3A_520, %dma_start3A_521] : memref<16x768x8x256xf32, #tpu.memory_space<hbm>> -> memref<8x2x8x256xf32, #tpu.memory_space<hbm>>
        tpu.enqueue_dma source(%dma_start3A_522 : memref<8x2x8x256xf32, #tpu.memory_space<hbm>>) target(%arg5 : memref<8x2x8x256xf32, #tpu.memory_space<vmem>>) target_semaphore(%arg9 : memref<!tpu.dma_semaphore, #tpu.memory_space<semaphore_mem>>)
      } else {
      }
      %mul3A_362 = arith.constant 3 : i32
      %mul3A_363 = arith.muli %scan3A_78, %mul3A_362 : i32
      %add3A_364 = arith.constant 2 : i32
      %add3A_365 = arith.addi %mul3A_363, %add3A_364 : i32
      %dma_wait3A_366 = arith.constant 0 : i32
      %dma_wait3A_367 = arith.constant 0 : i32
      %dma_wait3A_368 = arith.constant 0 : i32
      %dma_wait3A_369 = tpu.memref_slice %arg2[%dma_wait3A_366, %mul3A_2, %dma_wait3A_367, %dma_wait3A_368] : memref<16x768x8x256xf32, #tpu.memory_space<hbm>> -> memref<8x2x8x256xf32, #tpu.memory_space<hbm>>
      %dma_wait3A_370 = arith.constant 0 : i32
      %dma_wait3A_371 = arith.constant 0 : i32
      %dma_wait3A_372 = arith.constant 0 : i32
      %dma_wait3A_373 = tpu.memref_slice %arg2[%dma_wait3A_370, %mul3A_2, %dma_wait3A_371, %dma_wait3A_372] : memref<16x768x8x256xf32, #tpu.memory_space<hbm>> -> memref<8x2x8x256xf32, #tpu.memory_space<hbm>>
      tpu.wait_dma2 semaphore(%arg9 : memref<!tpu.dma_semaphore, #tpu.memory_space<semaphore_mem>>) src(%dma_wait3A_373 : memref<8x2x8x256xf32, #tpu.memory_space<hbm>>) dst(%arg7 : memref<8x2x8x256xf32, #tpu.memory_space<vmem>>)
      %shift_right_logical3A_374 = arith.constant 1 : i32
      %shift_right_logical3A_375 = arith.shrui %add3A_365, %shift_right_logical3A_374 : i32
      %and3A_376 = arith.constant 1 : i32
      %and3A_377 = arith.andi %add3A_365, %and3A_376 : i32
      %mul3A_378 = arith.constant 8 : i32
      %mul3A_379 = arith.muli %and3A_377, %mul3A_378 : i32
      %mul3A_380 = arith.constant 2 : i32
      %mul3A_381 = arith.muli %mul3A_380, %shift_right_logical3A_375 : i32
      %add3A_382 = arith.constant 0 : i32
      %add3A_383 = arith.addi %add3A_382, %mul3A_381 : i32
      %add3A_384 = arith.constant 0 : i32
      %add3A_385 = arith.addi %add3A_383, %add3A_384 : i32
      %mul3A_386 = arith.constant 16 : i32
      %mul3A_387 = arith.muli %add3A_385, %mul3A_386 : i32
      %get3A_388 = arith.index_cast %mul3A_387 : i32 to index
      %get3A_389 = tpu.vector_load %arg8[%get3A_388] {strides = array<i32>} : memref<1536xf32, #tpu.memory_space<vmem>>, vector<16xf32>,
      %get3A_390 = vector.shape_cast %get3A_389 : vector<16xf32> to vector<16xf32>
      %mul3A_391 = arith.constant 2 : i32
      %mul3A_392 = arith.muli %mul3A_391, %shift_right_logical3A_375 : i32
      %add3A_393 = arith.constant 24 : i32
      %add3A_394 = arith.addi %add3A_393, %mul3A_392 : i32
      %add3A_395 = arith.constant 0 : i32
      %add3A_396 = arith.addi %add3A_394, %add3A_395 : i32
      %mul3A_397 = arith.constant 16 : i32
      %mul3A_398 = arith.muli %add3A_396, %mul3A_397 : i32
      %get3A_399 = arith.index_cast %mul3A_398 : i32 to index
      %get3A_400 = tpu.vector_load %arg8[%get3A_399] {strides = array<i32>} : memref<1536xf32, #tpu.memory_space<vmem>>, vector<16xf32>,
      %get3A_401 = vector.shape_cast %get3A_400 : vector<16xf32> to vector<16xf32>
      %mul3A_402 = arith.constant 2 : i32
      %mul3A_403 = arith.muli %mul3A_402, %shift_right_logical3A_375 : i32
      %add3A_404 = arith.constant 48 : i32
      %add3A_405 = arith.addi %add3A_404, %mul3A_403 : i32
      %add3A_406 = arith.constant 0 : i32
      %add3A_407 = arith.addi %add3A_405, %add3A_406 : i32
      %mul3A_408 = arith.constant 16 : i32
      %mul3A_409 = arith.muli %add3A_407, %mul3A_408 : i32
      %get3A_410 = arith.index_cast %mul3A_409 : i32 to index
      %get3A_411 = tpu.vector_load %arg8[%get3A_410] {strides = array<i32>} : memref<1536xf32, #tpu.memory_space<vmem>>, vector<16xf32>,
      %get3A_412 = vector.shape_cast %get3A_411 : vector<16xf32> to vector<16xf32>
      %mul3A_413 = arith.constant 2 : i32
      %mul3A_414 = arith.muli %mul3A_413, %shift_right_logical3A_375 : i32
      %add3A_415 = arith.constant 72 : i32
      %add3A_416 = arith.addi %add3A_415, %mul3A_414 : i32
      %add3A_417 = arith.constant 0 : i32
      %add3A_418 = arith.addi %add3A_416, %add3A_417 : i32
      %mul3A_419 = arith.constant 16 : i32
      %mul3A_420 = arith.muli %add3A_418, %mul3A_419 : i32
      %get3A_421 = arith.index_cast %mul3A_420 : i32 to index
      %get3A_422 = tpu.vector_load %arg8[%get3A_421] {strides = array<i32>} : memref<1536xf32, #tpu.memory_space<vmem>>, vector<16xf32>,
      %get3A_423 = vector.shape_cast %get3A_422 : vector<16xf32> to vector<16xf32>
      %mul3A_424 = arith.constant 2 : i32
      %mul3A_425 = arith.muli %mul3A_424, %shift_right_logical3A_375 : i32
      %add3A_426 = arith.constant 0 : i32
      %add3A_427 = arith.addi %add3A_426, %mul3A_425 : i32
      %add3A_428 = arith.constant 1 : i32
      %add3A_429 = arith.addi %add3A_427, %add3A_428 : i32
      %mul3A_430 = arith.constant 16 : i32
      %mul3A_431 = arith.muli %add3A_429, %mul3A_430 : i32
      %get3A_432 = arith.index_cast %mul3A_431 : i32 to index
      %get3A_433 = tpu.vector_load %arg8[%get3A_432] {strides = array<i32>} : memref<1536xf32, #tpu.memory_space<vmem>>, vector<16xf32>,
      %get3A_434 = vector.shape_cast %get3A_433 : vector<16xf32> to vector<16xf32>
      %mul3A_435 = arith.constant 2 : i32
      %mul3A_436 = arith.muli %mul3A_435, %shift_right_logical3A_375 : i32
      %add3A_437 = arith.constant 24 : i32
      %add3A_438 = arith.addi %add3A_437, %mul3A_436 : i32
      %add3A_439 = arith.constant 1 : i32
      %add3A_440 = arith.addi %add3A_438, %add3A_439 : i32
      %mul3A_441 = arith.constant 16 : i32
      %mul3A_442 = arith.muli %add3A_440, %mul3A_441 : i32
      %get3A_443 = arith.index_cast %mul3A_442 : i32 to index
      %get3A_444 = tpu.vector_load %arg8[%get3A_443] {strides = array<i32>} : memref<1536xf32, #tpu.memory_space<vmem>>, vector<16xf32>,
      %get3A_445 = vector.shape_cast %get3A_444 : vector<16xf32> to vector<16xf32>
      %mul3A_446 = arith.constant 2 : i32
      %mul3A_447 = arith.muli %mul3A_446, %shift_right_logical3A_375 : i32
      %add3A_448 = arith.constant 48 : i32
      %add3A_449 = arith.addi %add3A_448, %mul3A_447 : i32
      %add3A_450 = arith.constant 1 : i32
      %add3A_451 = arith.addi %add3A_449, %add3A_450 : i32
      %mul3A_452 = arith.constant 16 : i32
      %mul3A_453 = arith.muli %add3A_451, %mul3A_452 : i32
      %get3A_454 = arith.index_cast %mul3A_453 : i32 to index
      %get3A_455 = tpu.vector_load %arg8[%get3A_454] {strides = array<i32>} : memref<1536xf32, #tpu.memory_space<vmem>>, vector<16xf32>,
      %get3A_456 = vector.shape_cast %get3A_455 : vector<16xf32> to vector<16xf32>
      %mul3A_457 = arith.constant 2 : i32
      %mul3A_458 = arith.muli %mul3A_457, %shift_right_logical3A_375 : i32
      %add3A_459 = arith.constant 72 : i32
      %add3A_460 = arith.addi %add3A_459, %mul3A_458 : i32
      %add3A_461 = arith.constant 1 : i32
      %add3A_462 = arith.addi %add3A_460, %add3A_461 : i32
      %mul3A_463 = arith.constant 16 : i32
      %mul3A_464 = arith.muli %add3A_462, %mul3A_463 : i32
      %get3A_465 = arith.index_cast %mul3A_464 : i32 to index
      %get3A_466 = tpu.vector_load %arg8[%get3A_465] {strides = array<i32>} : memref<1536xf32, #tpu.memory_space<vmem>>, vector<16xf32>,
      %get3A_467 = vector.shape_cast %get3A_466 : vector<16xf32> to vector<16xf32>
      %scan3A_468 = arith.constant 0 : i32
      %scan3A_469 = arith.constant 0 : i32
      %scan3A_470 = arith.constant 128 : i32
      %scan3A_471 = arith.addi %scan3A_469, %scan3A_470 : i32
      %scan3A_472 = arith.constant 1 : i32
      scf.for %scan3A_506 = %scan3A_469 to %scan3A_471 step %scan3A_472  : i32 {
        %shift_right_logical3A_507 = arith.constant 4 : i32
        %shift_right_logical3A_508 = arith.shrui %scan3A_506, %shift_right_logical3A_507 : i32
        %and3A_509 = arith.constant 15 : i32
        %and3A_510 = arith.andi %scan3A_506, %and3A_509 : i32
        %mul3A_511 = arith.constant 16 : i32
        %mul3A_512 = arith.muli %and3A_510, %mul3A_511 : i32
        %add3A_513 = vector.broadcast %mul3A_512 : i32 to vector<16xi32>
        %add3A_514 = arith.addi %add3A_513, %iota3A : vector<16xi32>
        %sub3A = arith.constant 7 : i32
        %sub3A_515 = arith.subi %sub3A, %shift_right_logical3A_508 : i32
        %min3A = arith.minsi %shift_right_logical3A_508, %sub3A_515 : i32
        %sub3A_516 = arith.constant 255 : i32
        %sub3A_517 = vector.broadcast %sub3A_516 : i32 to vector<16xi32>
        %sub3A_518 = arith.subi %sub3A_517, %add3A_514 : vector<16xi32>
        %min3A_519 = arith.minsi %add3A_514, %sub3A_518 : vector<16xi32>
        %min3A_520 = vector.broadcast %min3A : i32 to vector<16xi32>
        %min3A_521 = arith.minsi %min3A_520, %min3A_519 : vector<16xi32>
        %eq3A = arith.constant 0 : i32
        %eq3A_522 = vector.broadcast %eq3A : i32 to vector<16xi32>
        %eq3A_523 = arith.cmpi eq, %min3A_521, %eq3A_522 : vector<16xi32>
        %eq3A_524 = arith.constant 1 : i32
        %eq3A_525 = vector.broadcast %eq3A_524 : i32 to vector<16xi32>
        %eq3A_526 = arith.cmpi eq, %min3A_521, %eq3A_525 : vector<16xi32>
        %eq3A_527 = arith.constant 2 : i32
        %eq3A_528 = vector.broadcast %eq3A_527 : i32 to vector<16xi32>
        %eq3A_529 = arith.cmpi eq, %min3A_521, %eq3A_528 : vector<16xi32>
        %select_n3A = arith.select %eq3A_529, %get3A_412, %get3A_423 : vector<16xi1>, vector<16xf32>
        %select_n3A_530 = arith.select %eq3A_526, %get3A_401, %select_n3A : vector<16xi1>, vector<16xf32>
        %select_n3A_531 = arith.select %eq3A_523, %get3A_390, %select_n3A_530 : vector<16xi1>, vector<16xf32>
        %mul3A_532 = arith.constant 16 : i32
        %mul3A_533 = arith.muli %and3A_510, %mul3A_532 : i32
        %swap3A = arith.constant 0 : i32
        %swap3A_534 = arith.constant 0 : i32
        %swap3A_535 = arith.index_cast %swap3A : i32 to index
        %swap3A_536 = arith.index_cast %swap3A_534 : i32 to index
        %swap3A_537 = arith.index_cast %shift_right_logical3A_508 : i32 to index
        %swap3A_538 = arith.index_cast %mul3A_533 : i32 to index
        %swap3A_539 = tpu.vector_load %arg7[%swap3A_535, %swap3A_536, %swap3A_537, %swap3A_538] {strides = array<i32>} : memref<8x2x8x256xf32, #tpu.memory_space<vmem>>, vector<1x1x1x16xf32>,
        %swap3A_540 = vector.shape_cast %swap3A_539 : vector<1x1x1x16xf32> to vector<16xf32>
        %swap3A_541 = vector.shape_cast %select_n3A_531 : vector<16xf32> to vector<1x1x1x16xf32>
        tpu.vector_store %arg7[%swap3A_535, %swap3A_536, %swap3A_537, %swap3A_538], %swap3A_541 {add = true, strides = array<i32>} : memref<8x2x8x256xf32, #tpu.memory_space<vmem>>, vector<1x1x1x16xf32>,
        %mul3A_542 = arith.constant 16 : i32
        %mul3A_543 = arith.muli %and3A_510, %mul3A_542 : i32
        %swap3A_544 = arith.constant 1 : i32
        %swap3A_545 = arith.constant 0 : i32
        %swap3A_546 = arith.index_cast %swap3A_544 : i32 to index
        %swap3A_547 = arith.index_cast %swap3A_545 : i32 to index
        %swap3A_548 = arith.index_cast %shift_right_logical3A_508 : i32 to index
        %swap3A_549 = arith.index_cast %mul3A_543 : i32 to index
        %swap3A_550 = tpu.vector_load %arg7[%swap3A_546, %swap3A_547, %swap3A_548, %swap3A_549] {strides = array<i32>} : memref<8x2x8x256xf32, #tpu.memory_space<vmem>>, vector<1x1x1x16xf32>,
        %swap3A_551 = vector.shape_cast %swap3A_550 : vector<1x1x1x16xf32> to vector<16xf32>
        %swap3A_552 = vector.shape_cast %select_n3A_531 : vector<16xf32> to vector<1x1x1x16xf32>
        tpu.vector_store %arg7[%swap3A_546, %swap3A_547, %swap3A_548, %swap3A_549], %swap3A_552 {add = true, strides = array<i32>} : memref<8x2x8x256xf32, #tpu.memory_space<vmem>>, vector<1x1x1x16xf32>,
        %mul3A_553 = arith.constant 16 : i32
        %mul3A_554 = arith.muli %and3A_510, %mul3A_553 : i32
        %swap3A_555 = arith.constant 2 : i32
        %swap3A_556 = arith.constant 0 : i32
        %swap3A_557 = arith.index_cast %swap3A_555 : i32 to index
        %swap3A_558 = arith.index_cast %swap3A_556 : i32 to index
        %swap3A_559 = arith.index_cast %shift_right_logical3A_508 : i32 to index
        %swap3A_560 = arith.index_cast %mul3A_554 : i32 to index
        %swap3A_561 = tpu.vector_load %arg7[%swap3A_557, %swap3A_558, %swap3A_559, %swap3A_560] {strides = array<i32>} : memref<8x2x8x256xf32, #tpu.memory_space<vmem>>, vector<1x1x1x16xf32>,
        %swap3A_562 = vector.shape_cast %swap3A_561 : vector<1x1x1x16xf32> to vector<16xf32>
        %swap3A_563 = vector.shape_cast %select_n3A_531 : vector<16xf32> to vector<1x1x1x16xf32>
        tpu.vector_store %arg7[%swap3A_557, %swap3A_558, %swap3A_559, %swap3A_560], %swap3A_563 {add = true, strides = array<i32>} : memref<8x2x8x256xf32, #tpu.memory_space<vmem>>, vector<1x1x1x16xf32>,
        %mul3A_564 = arith.constant 16 : i32
        %mul3A_565 = arith.muli %and3A_510, %mul3A_564 : i32
        %swap3A_566 = arith.constant 3 : i32
        %swap3A_567 = arith.constant 0 : i32
        %swap3A_568 = arith.index_cast %swap3A_566 : i32 to index
        %swap3A_569 = arith.index_cast %swap3A_567 : i32 to index
        %swap3A_570 = arith.index_cast %shift_right_logical3A_508 : i32 to index
        %swap3A_571 = arith.index_cast %mul3A_565 : i32 to index
        %swap3A_572 = tpu.vector_load %arg7[%swap3A_568, %swap3A_569, %swap3A_570, %swap3A_571] {strides = array<i32>} : memref<8x2x8x256xf32, #tpu.memory_space<vmem>>, vector<1x1x1x16xf32>,
        %swap3A_573 = vector.shape_cast %swap3A_572 : vector<1x1x1x16xf32> to vector<16xf32>
        %swap3A_574 = vector.shape_cast %select_n3A_531 : vector<16xf32> to vector<1x1x1x16xf32>
        tpu.vector_store %arg7[%swap3A_568, %swap3A_569, %swap3A_570, %swap3A_571], %swap3A_574 {add = true, strides = array<i32>} : memref<8x2x8x256xf32, #tpu.memory_space<vmem>>, vector<1x1x1x16xf32>,
        %mul3A_575 = arith.constant 16 : i32
        %mul3A_576 = arith.muli %and3A_510, %mul3A_575 : i32
        %swap3A_577 = arith.constant 4 : i32
        %swap3A_578 = arith.constant 0 : i32
        %swap3A_579 = arith.index_cast %swap3A_577 : i32 to index
        %swap3A_580 = arith.index_cast %swap3A_578 : i32 to index
        %swap3A_581 = arith.index_cast %shift_right_logical3A_508 : i32 to index
        %swap3A_582 = arith.index_cast %mul3A_576 : i32 to index
        %swap3A_583 = tpu.vector_load %arg7[%swap3A_579, %swap3A_580, %swap3A_581, %swap3A_582] {strides = array<i32>} : memref<8x2x8x256xf32, #tpu.memory_space<vmem>>, vector<1x1x1x16xf32>,
        %swap3A_584 = vector.shape_cast %swap3A_583 : vector<1x1x1x16xf32> to vector<16xf32>
        %swap3A_585 = vector.shape_cast %select_n3A_531 : vector<16xf32> to vector<1x1x1x16xf32>
        tpu.vector_store %arg7[%swap3A_579, %swap3A_580, %swap3A_581, %swap3A_582], %swap3A_585 {add = true, strides = array<i32>} : memref<8x2x8x256xf32, #tpu.memory_space<vmem>>, vector<1x1x1x16xf32>,
        %mul3A_586 = arith.constant 16 : i32
        %mul3A_587 = arith.muli %and3A_510, %mul3A_586 : i32
        %swap3A_588 = arith.constant 5 : i32
        %swap3A_589 = arith.constant 0 : i32
        %swap3A_590 = arith.index_cast %swap3A_588 : i32 to index
        %swap3A_591 = arith.index_cast %swap3A_589 : i32 to index
        %swap3A_592 = arith.index_cast %shift_right_logical3A_508 : i32 to index
        %swap3A_593 = arith.index_cast %mul3A_587 : i32 to index
        %swap3A_594 = tpu.vector_load %arg7[%swap3A_590, %swap3A_591, %swap3A_592, %swap3A_593] {strides = array<i32>} : memref<8x2x8x256xf32, #tpu.memory_space<vmem>>, vector<1x1x1x16xf32>,
        %swap3A_595 = vector.shape_cast %swap3A_594 : vector<1x1x1x16xf32> to vector<16xf32>
        %swap3A_596 = vector.shape_cast %select_n3A_531 : vector<16xf32> to vector<1x1x1x16xf32>
        tpu.vector_store %arg7[%swap3A_590, %swap3A_591, %swap3A_592, %swap3A_593], %swap3A_596 {add = true, strides = array<i32>} : memref<8x2x8x256xf32, #tpu.memory_space<vmem>>, vector<1x1x1x16xf32>,
        %mul3A_597 = arith.constant 16 : i32
        %mul3A_598 = arith.muli %and3A_510, %mul3A_597 : i32
        %swap3A_599 = arith.constant 6 : i32
        %swap3A_600 = arith.constant 0 : i32
        %swap3A_601 = arith.index_cast %swap3A_599 : i32 to index
        %swap3A_602 = arith.index_cast %swap3A_600 : i32 to index
        %swap3A_603 = arith.index_cast %shift_right_logical3A_508 : i32 to index
        %swap3A_604 = arith.index_cast %mul3A_598 : i32 to index
        %swap3A_605 = tpu.vector_load %arg7[%swap3A_601, %swap3A_602, %swap3A_603, %swap3A_604] {strides = array<i32>} : memref<8x2x8x256xf32, #tpu.memory_space<vmem>>, vector<1x1x1x16xf32>,
        %swap3A_606 = vector.shape_cast %swap3A_605 : vector<1x1x1x16xf32> to vector<16xf32>
        %swap3A_607 = vector.shape_cast %select_n3A_531 : vector<16xf32> to vector<1x1x1x16xf32>
        tpu.vector_store %arg7[%swap3A_601, %swap3A_602, %swap3A_603, %swap3A_604], %swap3A_607 {add = true, strides = array<i32>} : memref<8x2x8x256xf32, #tpu.memory_space<vmem>>, vector<1x1x1x16xf32>,
        %mul3A_608 = arith.constant 16 : i32
        %mul3A_609 = arith.muli %and3A_510, %mul3A_608 : i32
        %swap3A_610 = arith.constant 7 : i32
        %swap3A_611 = arith.constant 0 : i32
        %swap3A_612 = arith.index_cast %swap3A_610 : i32 to index
        %swap3A_613 = arith.index_cast %swap3A_611 : i32 to index
        %swap3A_614 = arith.index_cast %shift_right_logical3A_508 : i32 to index
        %swap3A_615 = arith.index_cast %mul3A_609 : i32 to index
        %swap3A_616 = tpu.vector_load %arg7[%swap3A_612, %swap3A_613, %swap3A_614, %swap3A_615] {strides = array<i32>} : memref<8x2x8x256xf32, #tpu.memory_space<vmem>>, vector<1x1x1x16xf32>,
        %swap3A_617 = vector.shape_cast %swap3A_616 : vector<1x1x1x16xf32> to vector<16xf32>
        %swap3A_618 = vector.shape_cast %select_n3A_531 : vector<16xf32> to vector<1x1x1x16xf32>
        tpu.vector_store %arg7[%swap3A_612, %swap3A_613, %swap3A_614, %swap3A_615], %swap3A_618 {add = true, strides = array<i32>} : memref<8x2x8x256xf32, #tpu.memory_space<vmem>>, vector<1x1x1x16xf32>,
        %eq3A_619 = arith.constant 0 : i32
        %eq3A_620 = vector.broadcast %eq3A_619 : i32 to vector<16xi32>
        %eq3A_621 = arith.cmpi eq, %min3A_521, %eq3A_620 : vector<16xi32>
        %eq3A_622 = arith.constant 1 : i32
        %eq3A_623 = vector.broadcast %eq3A_622 : i32 to vector<16xi32>
        %eq3A_624 = arith.cmpi eq, %min3A_521, %eq3A_623 : vector<16xi32>
        %eq3A_625 = arith.constant 2 : i32
        %eq3A_626 = vector.broadcast %eq3A_625 : i32 to vector<16xi32>
        %eq3A_627 = arith.cmpi eq, %min3A_521, %eq3A_626 : vector<16xi32>
        %select_n3A_628 = arith.select %eq3A_627, %get3A_456, %get3A_467 : vector<16xi1>, vector<16xf32>
        %select_n3A_629 = arith.select %eq3A_624, %get3A_445, %select_n3A_628 : vector<16xi1>, vector<16xf32>
        %select_n3A_630 = arith.select %eq3A_621, %get3A_434, %select_n3A_629 : vector<16xi1>, vector<16xf32>
        %mul3A_631 = arith.constant 16 : i32
        %mul3A_632 = arith.muli %and3A_510, %mul3A_631 : i32
        %swap3A_633 = arith.constant 0 : i32
        %swap3A_634 = arith.constant 1 : i32
        %swap3A_635 = arith.index_cast %swap3A_633 : i32 to index
        %swap3A_636 = arith.index_cast %swap3A_634 : i32 to index
        %swap3A_637 = arith.index_cast %shift_right_logical3A_508 : i32 to index
        %swap3A_638 = arith.index_cast %mul3A_632 : i32 to index
        %swap3A_639 = tpu.vector_load %arg7[%swap3A_635, %swap3A_636, %swap3A_637, %swap3A_638] {strides = array<i32>} : memref<8x2x8x256xf32, #tpu.memory_space<vmem>>, vector<1x1x1x16xf32>,
        %swap3A_640 = vector.shape_cast %swap3A_639 : vector<1x1x1x16xf32> to vector<16xf32>
        %swap3A_641 = vector.shape_cast %select_n3A_630 : vector<16xf32> to vector<1x1x1x16xf32>
        tpu.vector_store %arg7[%swap3A_635, %swap3A_636, %swap3A_637, %swap3A_638], %swap3A_641 {add = true, strides = array<i32>} : memref<8x2x8x256xf32, #tpu.memory_space<vmem>>, vector<1x1x1x16xf32>,
        %mul3A_642 = arith.constant 16 : i32
        %mul3A_643 = arith.muli %and3A_510, %mul3A_642 : i32
        %swap3A_644 = arith.constant 1 : i32
        %swap3A_645 = arith.constant 1 : i32
        %swap3A_646 = arith.index_cast %swap3A_644 : i32 to index
        %swap3A_647 = arith.index_cast %swap3A_645 : i32 to index
        %swap3A_648 = arith.index_cast %shift_right_logical3A_508 : i32 to index
        %swap3A_649 = arith.index_cast %mul3A_643 : i32 to index
        %swap3A_650 = tpu.vector_load %arg7[%swap3A_646, %swap3A_647, %swap3A_648, %swap3A_649] {strides = array<i32>} : memref<8x2x8x256xf32, #tpu.memory_space<vmem>>, vector<1x1x1x16xf32>,
        %swap3A_651 = vector.shape_cast %swap3A_650 : vector<1x1x1x16xf32> to vector<16xf32>
        %swap3A_652 = vector.shape_cast %select_n3A_630 : vector<16xf32> to vector<1x1x1x16xf32>
        tpu.vector_store %arg7[%swap3A_646, %swap3A_647, %swap3A_648, %swap3A_649], %swap3A_652 {add = true, strides = array<i32>} : memref<8x2x8x256xf32, #tpu.memory_space<vmem>>, vector<1x1x1x16xf32>,
        %mul3A_653 = arith.constant 16 : i32
        %mul3A_654 = arith.muli %and3A_510, %mul3A_653 : i32
        %swap3A_655 = arith.constant 2 : i32
        %swap3A_656 = arith.constant 1 : i32
        %swap3A_657 = arith.index_cast %swap3A_655 : i32 to index
        %swap3A_658 = arith.index_cast %swap3A_656 : i32 to index
        %swap3A_659 = arith.index_cast %shift_right_logical3A_508 : i32 to index
        %swap3A_660 = arith.index_cast %mul3A_654 : i32 to index
        %swap3A_661 = tpu.vector_load %arg7[%swap3A_657, %swap3A_658, %swap3A_659, %swap3A_660] {strides = array<i32>} : memref<8x2x8x256xf32, #tpu.memory_space<vmem>>, vector<1x1x1x16xf32>,
        %swap3A_662 = vector.shape_cast %swap3A_661 : vector<1x1x1x16xf32> to vector<16xf32>
        %swap3A_663 = vector.shape_cast %select_n3A_630 : vector<16xf32> to vector<1x1x1x16xf32>
        tpu.vector_store %arg7[%swap3A_657, %swap3A_658, %swap3A_659, %swap3A_660], %swap3A_663 {add = true, strides = array<i32>} : memref<8x2x8x256xf32, #tpu.memory_space<vmem>>, vector<1x1x1x16xf32>,
        %mul3A_664 = arith.constant 16 : i32
        %mul3A_665 = arith.muli %and3A_510, %mul3A_664 : i32
        %swap3A_666 = arith.constant 3 : i32
        %swap3A_667 = arith.constant 1 : i32
        %swap3A_668 = arith.index_cast %swap3A_666 : i32 to index
        %swap3A_669 = arith.index_cast %swap3A_667 : i32 to index
        %swap3A_670 = arith.index_cast %shift_right_logical3A_508 : i32 to index
        %swap3A_671 = arith.index_cast %mul3A_665 : i32 to index
        %swap3A_672 = tpu.vector_load %arg7[%swap3A_668, %swap3A_669, %swap3A_670, %swap3A_671] {strides = array<i32>} : memref<8x2x8x256xf32, #tpu.memory_space<vmem>>, vector<1x1x1x16xf32>,
        %swap3A_673 = vector.shape_cast %swap3A_672 : vector<1x1x1x16xf32> to vector<16xf32>
        %swap3A_674 = vector.shape_cast %select_n3A_630 : vector<16xf32> to vector<1x1x1x16xf32>
        tpu.vector_store %arg7[%swap3A_668, %swap3A_669, %swap3A_670, %swap3A_671], %swap3A_674 {add = true, strides = array<i32>} : memref<8x2x8x256xf32, #tpu.memory_space<vmem>>, vector<1x1x1x16xf32>,
        %mul3A_675 = arith.constant 16 : i32
        %mul3A_676 = arith.muli %and3A_510, %mul3A_675 : i32
        %swap3A_677 = arith.constant 4 : i32
        %swap3A_678 = arith.constant 1 : i32
        %swap3A_679 = arith.index_cast %swap3A_677 : i32 to index
        %swap3A_680 = arith.index_cast %swap3A_678 : i32 to index
        %swap3A_681 = arith.index_cast %shift_right_logical3A_508 : i32 to index
        %swap3A_682 = arith.index_cast %mul3A_676 : i32 to index
        %swap3A_683 = tpu.vector_load %arg7[%swap3A_679, %swap3A_680, %swap3A_681, %swap3A_682] {strides = array<i32>} : memref<8x2x8x256xf32, #tpu.memory_space<vmem>>, vector<1x1x1x16xf32>,
        %swap3A_684 = vector.shape_cast %swap3A_683 : vector<1x1x1x16xf32> to vector<16xf32>
        %swap3A_685 = vector.shape_cast %select_n3A_630 : vector<16xf32> to vector<1x1x1x16xf32>
        tpu.vector_store %arg7[%swap3A_679, %swap3A_680, %swap3A_681, %swap3A_682], %swap3A_685 {add = true, strides = array<i32>} : memref<8x2x8x256xf32, #tpu.memory_space<vmem>>, vector<1x1x1x16xf32>,
        %mul3A_686 = arith.constant 16 : i32
        %mul3A_687 = arith.muli %and3A_510, %mul3A_686 : i32
        %swap3A_688 = arith.constant 5 : i32
        %swap3A_689 = arith.constant 1 : i32
        %swap3A_690 = arith.index_cast %swap3A_688 : i32 to index
        %swap3A_691 = arith.index_cast %swap3A_689 : i32 to index
        %swap3A_692 = arith.index_cast %shift_right_logical3A_508 : i32 to index
        %swap3A_693 = arith.index_cast %mul3A_687 : i32 to index
        %swap3A_694 = tpu.vector_load %arg7[%swap3A_690, %swap3A_691, %swap3A_692, %swap3A_693] {strides = array<i32>} : memref<8x2x8x256xf32, #tpu.memory_space<vmem>>, vector<1x1x1x16xf32>,
        %swap3A_695 = vector.shape_cast %swap3A_694 : vector<1x1x1x16xf32> to vector<16xf32>
        %swap3A_696 = vector.shape_cast %select_n3A_630 : vector<16xf32> to vector<1x1x1x16xf32>
        tpu.vector_store %arg7[%swap3A_690, %swap3A_691, %swap3A_692, %swap3A_693], %swap3A_696 {add = true, strides = array<i32>} : memref<8x2x8x256xf32, #tpu.memory_space<vmem>>, vector<1x1x1x16xf32>,
        %mul3A_697 = arith.constant 16 : i32
        %mul3A_698 = arith.muli %and3A_510, %mul3A_697 : i32
        %swap3A_699 = arith.constant 6 : i32
        %swap3A_700 = arith.constant 1 : i32
        %swap3A_701 = arith.index_cast %swap3A_699 : i32 to index
        %swap3A_702 = arith.index_cast %swap3A_700 : i32 to index
        %swap3A_703 = arith.index_cast %shift_right_logical3A_508 : i32 to index
        %swap3A_704 = arith.index_cast %mul3A_698 : i32 to index
        %swap3A_705 = tpu.vector_load %arg7[%swap3A_701, %swap3A_702, %swap3A_703, %swap3A_704] {strides = array<i32>} : memref<8x2x8x256xf32, #tpu.memory_space<vmem>>, vector<1x1x1x16xf32>,
        %swap3A_706 = vector.shape_cast %swap3A_705 : vector<1x1x1x16xf32> to vector<16xf32>
        %swap3A_707 = vector.shape_cast %select_n3A_630 : vector<16xf32> to vector<1x1x1x16xf32>
        tpu.vector_store %arg7[%swap3A_701, %swap3A_702, %swap3A_703, %swap3A_704], %swap3A_707 {add = true, strides = array<i32>} : memref<8x2x8x256xf32, #tpu.memory_space<vmem>>, vector<1x1x1x16xf32>,
        %mul3A_708 = arith.constant 16 : i32
        %mul3A_709 = arith.muli %and3A_510, %mul3A_708 : i32
        %swap3A_710 = arith.constant 7 : i32
        %swap3A_711 = arith.constant 1 : i32
        %swap3A_712 = arith.index_cast %swap3A_710 : i32 to index
        %swap3A_713 = arith.index_cast %swap3A_711 : i32 to index
        %swap3A_714 = arith.index_cast %shift_right_logical3A_508 : i32 to index
        %swap3A_715 = arith.index_cast %mul3A_709 : i32 to index
        %swap3A_716 = tpu.vector_load %arg7[%swap3A_712, %swap3A_713, %swap3A_714, %swap3A_715] {strides = array<i32>} : memref<8x2x8x256xf32, #tpu.memory_space<vmem>>, vector<1x1x1x16xf32>,
        %swap3A_717 = vector.shape_cast %swap3A_716 : vector<1x1x1x16xf32> to vector<16xf32>
        %swap3A_718 = vector.shape_cast %select_n3A_630 : vector<16xf32> to vector<1x1x1x16xf32>
        tpu.vector_store %arg7[%swap3A_712, %swap3A_713, %swap3A_714, %swap3A_715], %swap3A_718 {add = true, strides = array<i32>} : memref<8x2x8x256xf32, #tpu.memory_space<vmem>>, vector<1x1x1x16xf32>,
      }
      %scan3A_473 = arith.constant 128 : i32
      %shift_right_logical3A_474 = arith.constant 1 : i32
      %shift_right_logical3A_475 = arith.shrui %add3A_365, %shift_right_logical3A_474 : i32
      %and3A_476 = arith.constant 1 : i32
      %and3A_477 = arith.andi %add3A_365, %and3A_476 : i32
      %mul3A_478 = arith.constant 8 : i32
      %mul3A_479 = arith.muli %and3A_477, %mul3A_478 : i32
      %mul3A_480 = arith.constant 2 : i32
      %mul3A_481 = arith.muli %mul3A_480, %shift_right_logical3A_475 : i32
      %add3A_482 = arith.addi %mul3A_2, %mul3A_481 : i32
      %dma_start3A_483 = arith.constant 0 : i32
      %dma_start3A_484 = arith.constant 0 : i32
      %dma_start3A_485 = tpu.memref_slice %arg4[%mul3A_479, %add3A_482, %dma_start3A_483, %dma_start3A_484] : memref<16x768x8x256xf32, #tpu.memory_space<hbm>> -> memref<8x2x8x256xf32, #tpu.memory_space<hbm>>
      %dma_start3A_486 = arith.constant 0 : i32
      %dma_start3A_487 = arith.constant 0 : i32
      %dma_start3A_488 = tpu.memref_slice %arg4[%mul3A_479, %add3A_482, %dma_start3A_486, %dma_start3A_487] : memref<16x768x8x256xf32, #tpu.memory_space<hbm>> -> memref<8x2x8x256xf32, #tpu.memory_space<hbm>>
      tpu.enqueue_dma source(%arg7 : memref<8x2x8x256xf32, #tpu.memory_space<vmem>>) target(%dma_start3A_488 : memref<8x2x8x256xf32, #tpu.memory_space<hbm>>) target_semaphore(%arg12 : memref<!tpu.dma_semaphore, #tpu.memory_space<semaphore_mem>>)
      %ge3A_489 = arith.constant 1 : i32
      %ge3A_490 = arith.cmpi sge, %add3A_365, %ge3A_489 : i32
      %add3A_491 = arith.constant 2 : i32
      %add3A_492 = arith.addi %add3A_365, %add3A_491 : i32
      %lt3A_493 = arith.constant 24 : i32
      %lt3A_494 = arith.cmpi slt, %add3A_492, %lt3A_493 : i32
      %and3A_495 = arith.andi %ge3A_490, %lt3A_494 : i1
      %convert_element_type3A_496 = arith.extui %and3A_495 : i1 to i32
      %cond3A_497 = arith.constant 0 : i32
      %cond3A_498 = arith.cmpi ne, %convert_element_type3A_496, %cond3A_497 : i32
      scf.if %cond3A_498 {
        %dma_wait3A_506 = arith.constant 0 : i32
        %dma_wait3A_507 = arith.constant 0 : i32
        %dma_wait3A_508 = arith.constant 0 : i32
        %dma_wait3A_509 = tpu.memref_slice %arg4[%dma_wait3A_506, %mul3A_2, %dma_wait3A_507, %dma_wait3A_508] : memref<16x768x8x256xf32, #tpu.memory_space<hbm>> -> memref<8x2x8x256xf32, #tpu.memory_space<hbm>>
        %dma_wait3A_510 = arith.constant 0 : i32
        %dma_wait3A_511 = arith.constant 0 : i32
        %dma_wait3A_512 = arith.constant 0 : i32
        %dma_wait3A_513 = tpu.memref_slice %arg4[%dma_wait3A_510, %mul3A_2, %dma_wait3A_511, %dma_wait3A_512] : memref<16x768x8x256xf32, #tpu.memory_space<hbm>> -> memref<8x2x8x256xf32, #tpu.memory_space<hbm>>
        tpu.wait_dma2 semaphore(%arg11 : memref<!tpu.dma_semaphore, #tpu.memory_space<semaphore_mem>>) src(%arg6 : memref<8x2x8x256xf32, #tpu.memory_space<vmem>>) dst(%dma_wait3A_513 : memref<8x2x8x256xf32, #tpu.memory_space<hbm>>)
      } else {
      }
      %add3A_499 = arith.constant 2 : i32
      %add3A_500 = arith.addi %add3A_365, %add3A_499 : i32
      %lt3A_501 = arith.constant 24 : i32
      %lt3A_502 = arith.cmpi slt, %add3A_500, %lt3A_501 : i32
      %convert_element_type3A_503 = arith.extui %lt3A_502 : i1 to i32
      %cond3A_504 = arith.constant 0 : i32
      %cond3A_505 = arith.cmpi ne, %convert_element_type3A_503, %cond3A_504 : i32
      scf.if %cond3A_505 {
        %add3A_506 = arith.constant 2 : i32
        %add3A_507 = arith.addi %add3A_365, %add3A_506 : i32
        %shift_right_logical3A_508 = arith.constant 1 : i32
        %shift_right_logical3A_509 = arith.shrui %add3A_507, %shift_right_logical3A_508 : i32
        %and3A_510 = arith.constant 1 : i32
        %and3A_511 = arith.andi %add3A_507, %and3A_510 : i32
        %mul3A_512 = arith.constant 8 : i32
        %mul3A_513 = arith.muli %and3A_511, %mul3A_512 : i32
        %mul3A_514 = arith.constant 2 : i32
        %mul3A_515 = arith.muli %mul3A_514, %shift_right_logical3A_509 : i32
        %add3A_516 = arith.addi %mul3A_2, %mul3A_515 : i32
        %dma_start3A_517 = arith.constant 0 : i32
        %dma_start3A_518 = arith.constant 0 : i32
        %dma_start3A_519 = tpu.memref_slice %arg2[%mul3A_513, %add3A_516, %dma_start3A_517, %dma_start3A_518] : memref<16x768x8x256xf32, #tpu.memory_space<hbm>> -> memref<8x2x8x256xf32, #tpu.memory_space<hbm>>
        %dma_start3A_520 = arith.constant 0 : i32
        %dma_start3A_521 = arith.constant 0 : i32
        %dma_start3A_522 = tpu.memref_slice %arg2[%mul3A_513, %add3A_516, %dma_start3A_520, %dma_start3A_521] : memref<16x768x8x256xf32, #tpu.memory_space<hbm>> -> memref<8x2x8x256xf32, #tpu.memory_space<hbm>>
        tpu.enqueue_dma source(%dma_start3A_522 : memref<8x2x8x256xf32, #tpu.memory_space<hbm>>) target(%arg6 : memref<8x2x8x256xf32, #tpu.memory_space<vmem>>) target_semaphore(%arg9 : memref<!tpu.dma_semaphore, #tpu.memory_space<semaphore_mem>>)
      } else {
      }
    }
    %scan3A_54 = arith.constant 8 : i32
    %dma_wait3A = arith.constant 0 : i32
    %dma_wait3A_55 = arith.constant 0 : i32
    %dma_wait3A_56 = arith.constant 0 : i32
    %dma_wait3A_57 = tpu.memref_slice %arg4[%dma_wait3A, %mul3A_2, %dma_wait3A_55, %dma_wait3A_56] : memref<16x768x8x256xf32, #tpu.memory_space<hbm>> -> memref<8x2x8x256xf32, #tpu.memory_space<hbm>>
    %dma_wait3A_58 = arith.constant 0 : i32
    %dma_wait3A_59 = arith.constant 0 : i32
    %dma_wait3A_60 = arith.constant 0 : i32
    %dma_wait3A_61 = tpu.memref_slice %arg4[%dma_wait3A_58, %mul3A_2, %dma_wait3A_59, %dma_wait3A_60] : memref<16x768x8x256xf32, #tpu.memory_space<hbm>> -> memref<8x2x8x256xf32, #tpu.memory_space<hbm>>
    tpu.wait_dma2 semaphore(%arg10 : memref<!tpu.dma_semaphore, #tpu.memory_space<semaphore_mem>>) src(%arg5 : memref<8x2x8x256xf32, #tpu.memory_space<vmem>>) dst(%dma_wait3A_61 : memref<8x2x8x256xf32, #tpu.memory_space<hbm>>)
    %dma_wait3A_62 = arith.constant 0 : i32
    %dma_wait3A_63 = arith.constant 0 : i32
    %dma_wait3A_64 = arith.constant 0 : i32
    %dma_wait3A_65 = tpu.memref_slice %arg4[%dma_wait3A_62, %mul3A_2, %dma_wait3A_63, %dma_wait3A_64] : memref<16x768x8x256xf32, #tpu.memory_space<hbm>> -> memref<8x2x8x256xf32, #tpu.memory_space<hbm>>
    %dma_wait3A_66 = arith.constant 0 : i32
    %dma_wait3A_67 = arith.constant 0 : i32
    %dma_wait3A_68 = arith.constant 0 : i32
    %dma_wait3A_69 = tpu.memref_slice %arg4[%dma_wait3A_66, %mul3A_2, %dma_wait3A_67, %dma_wait3A_68] : memref<16x768x8x256xf32, #tpu.memory_space<hbm>> -> memref<8x2x8x256xf32, #tpu.memory_space<hbm>>
    tpu.wait_dma2 semaphore(%arg11 : memref<!tpu.dma_semaphore, #tpu.memory_space<semaphore_mem>>) src(%arg6 : memref<8x2x8x256xf32, #tpu.memory_space<vmem>>) dst(%dma_wait3A_69 : memref<8x2x8x256xf32, #tpu.memory_space<hbm>>)
    %dma_wait3A_70 = arith.constant 0 : i32
    %dma_wait3A_71 = arith.constant 0 : i32
    %dma_wait3A_72 = arith.constant 0 : i32
    %dma_wait3A_73 = tpu.memref_slice %arg4[%dma_wait3A_70, %mul3A_2, %dma_wait3A_71, %dma_wait3A_72] : memref<16x768x8x256xf32, #tpu.memory_space<hbm>> -> memref<8x2x8x256xf32, #tpu.memory_space<hbm>>
    %dma_wait3A_74 = arith.constant 0 : i32
    %dma_wait3A_75 = arith.constant 0 : i32
    %dma_wait3A_76 = arith.constant 0 : i32
    %dma_wait3A_77 = tpu.memref_slice %arg4[%dma_wait3A_74, %mul3A_2, %dma_wait3A_75, %dma_wait3A_76] : memref<16x768x8x256xf32, #tpu.memory_space<hbm>> -> memref<8x2x8x256xf32, #tpu.memory_space<hbm>>
    tpu.wait_dma2 semaphore(%arg12 : memref<!tpu.dma_semaphore, #tpu.memory_space<semaphore_mem>>) src(%arg7 : memref<8x2x8x256xf32, #tpu.memory_space<vmem>>) dst(%dma_wait3A_77 : memref<8x2x8x256xf32, #tpu.memory_space<hbm>>)
    return
  }
}

</mosaic_0001>

<sc_bundles>
// kernel: kernel.3.cloned.1.call-start
scs
__scs_entry_jumppad:
0x0: {  	(pc) =	sbr.rel $0x88, $3  }
0x1: {  	(tag) =	ssettag $0x0;
	lr =	simm.s32 $0x1  }
0x2: {  	[smem:$0x3F9F] =	sst lr;
	_ =	strace $0xD0000000  }
0x3: {  	_ = 	snop  }
0x4: {  	_ = 	snop  }
0x5: {  	_ = 	snop  }
0x6: {  	_ = 	snop  }
0x7: {  	_ = 	snop  }
__scs_overlays_trampoline_lowered:
0x8: {  	[smem:$0x3FAE] =	sst s0  }
0x9: {  	[smem:$0x3FAF] =	sst s1  }
0xa: {  	[smem:$0x3FB0] =	sst s2  }
0xb: {  	[smem:$0x3FB1] =	sst s3  }
0xc: {  	[smem:$0x3FB2] =	sst s4  }
0xd: {  	[smem:$0x3FB3] =	sst s5  }
0xe: {  	[smem:$0x3FB4] =	sst s6  }
0xf: {  	[smem:$0x3FB5] =	sst s7  }
0x10: {  	[smem:$0x3FB6] =	sst s8  }
0x11: {  	[smem:$0x3FB7] =	sst s9;
	s0 =	simm.s32 @!p0 $0x0  }
0x12: {  	s1 =	sld [smem:$0x3F9D];
	s0 =	simm.s32 @p0 $0x1  }
0x13: {  	[smem:$0x3FB8] =	sst s0;
	s0 =	simm.s32 @!p1 $0x0  }
0x14: {  	s2 =	sld [smem:$0x3F9C];
	s0 =	simm.s32 @p1 $0x1  }
0x15: {  	[smem:$0x3FB9] =	sst s0;
	s0 =	simm.s32 @!p2 $0x0  }
0x16: {  	s3 =	sld [smem:$0x3FDB];
	s0 =	simm.s32 @p2 $0x1  }
0x17: {  	s4 =	simm.s32 $0x1BF5;
	[smem:$0x3FBB] =	sst s0  }
0x18: {  	s0 =	sld [smem:$0x3F9E];
	_ =	swait.ge [sflag:s4], $0x0  }
0x19: {  	s7 =	sld [smem:$0x3F9F]  }
0x1a: {  	s8 =	sadd.s32 $0xFFFFE003, lr  }
0x1b: {  	s9 =	sadd.s32 $0xFFFFFEF7, lr;
	s5 =	simm.s32 $0xFFFFFFFF;
	p2 =	slt.u32 s8, $0xFFFFF086  }
0x1c: {  	p1 =	slt.u32 s9, $0xF7A;
	s5 =	simm.s32 @!p2 $0x0  }
0x1d: {  	s5 =	simm.s32 @p1 $0x1;
	p0 =	seq.s32 s7, s2  }
0x1e: {  	s7 =	smul.u32 @!p0 $0xF7A, s2;
	p2 =	seq.s32 @!p0 s5, $0x0  }
0x1f: {  	s9 =	smul.u32 $0xF7A, s1;
	s8 =	simm.s32 @!p0 $0x1BF5;
	p2 =	por !p2, p0  }
0x20: {  	[sflag:s8] =	ssyncset.s32 @!p0 $0xFFFFF086;
	s6 =	sadd.s32 @!p0 s3, s7;
	s7 =	simm.s32 @!p0 $0x108  }
0x21: {  	s3 =	sadd.s32 s3, s9;
	s6 =	sadd.s32 @!p0 $0x88, s6;
	s7 =	simm.s32 @p2 $0x1082  }
0x22: {  	[simem:s7], [sflag:s8] =	dma.local @!p0 [hbm:s6], $0xF7A  }
0x23: {  	s9 =	sor.u32 $0xD0000000, s2;
	s6 =	simm.s32 $0x108;
	_ =	swait.ge @!p0 [sflag:s8], $0x0  }
0x24: {  	s3 =	sadd.s32 $0x88, s3;
	s6 =	simm.s32 @!p1 $0x1082;
	[sflag:s4] =	ssyncset.s32 $0xFFFFF086  }
0x25: {  	[simem:s6], [sflag:s4] =	dma.local [hbm:s3], $0xF7A  }
0x26: {  	[smem:$0x3F9F] =	sst s1;
	(tag) =	ssettag s2;
	_ =	strace s9  }
0x27: {  	s1 =	sld [smem:$0x3FAF]  }
0x28: {  	s2 =	sld [smem:$0x3FB0]  }
0x29: {  	s4 =	sld [smem:$0x3FB2]  }
0x2a: {  	p0 =	seq.s32 s5, $0x0;
	s5 =	sld [smem:$0x3FB3]  }
0x2b: {  	s6 =	sld [smem:$0x3FB4]  }
0x2c: {  	s7 =	sld [smem:$0x3FB5]  }
0x2d: {  	s3 =	simm.s32 $0x108;
	s8 =	sld [smem:$0x3FB6]  }
0x2e: {  	s3 =	simm.s32 @!p0 $0x1082;
	s9 =	sld [smem:$0x3FB7]  }
0x2f: {  	lr =	sadd.s32 s0, s3;
	s0 =	sld [smem:$0x3FAE]  }
0x30: {  	s3 =	sld [smem:$0x3FB1]  }
0x31: {  	[smem:$0x3FBA] =	sst s10  }
0x32: {  	s10 =	sld [smem:$0x3FB8];
	_ =	sdelay $0x3  }
0x33: {  	p0 =	seq.s32 s10, $0x1;
	s10 =	sld [smem:$0x3FBA];
	_ =	sdelay $0x3  }
0x34: {  	[smem:$0x3FBA] =	sst s10  }
0x35: {  	s10 =	sld [smem:$0x3FB9];
	_ =	sdelay $0x3  }
0x36: {  	p1 =	seq.s32 s10, $0x1;
	s10 =	sld [smem:$0x3FBA];
	_ =	sdelay $0x3  }
0x37: {  	[smem:$0x3FBA] =	sst s10  }
0x38: {  	s10 =	sld [smem:$0x3FBB]  }
0x39: {  	_ = 	snop;
	(pc) =	sbr.ind lr, $3  }
0x3a: {  	_ = 	snop  }
0x3b: {  	_ = 	snop  }
0x3c: {  	p2 =	seq.s32 s10, $0x1;
	s10 =	sld [smem:$0x3FBA]  }
0x3d: {  	_ =	shalt  }
0x3e: {  	_ =	shalt  }
0x3f: {  	_ =	shalt  }
0x40: {  	_ =	shalt  }
0x41: {  	_ =	shalt  }
0x42: {  	_ =	shalt  }
0x43: {  	_ =	shalt  }
0x44: {  	_ =	shalt  }
0x45: {  	_ =	shalt  }
0x46: {  	_ =	shalt  }
0x47: {  	_ =	shalt  }
0x48: {  	_ =	shalt  }
0x49: {  	_ =	shalt  }
0x4a: {  	_ =	shalt  }
0x4b: {  	_ =	shalt  }
0x4c: {  	_ =	shalt  }
0x4d: {  	_ =	shalt  }
0x4e: {  	_ =	shalt  }
0x4f: {  	_ =	shalt  }
0x50: {  	_ =	shalt  }
0x51: {  	_ =	shalt  }
0x52: {  	_ =	shalt  }
0x53: {  	_ =	shalt  }
0x54: {  	_ =	shalt  }
0x55: {  	_ =	shalt  }
0x56: {  	_ =	shalt  }
0x57: {  	_ =	shalt  }
0x58: {  	_ =	shalt  }
0x59: {  	_ =	shalt  }
0x5a: {  	_ =	shalt  }
0x5b: {  	_ =	shalt  }
0x5c: {  	_ =	shalt  }
0x5d: {  	_ =	shalt  }
0x5e: {  	_ =	shalt  }
0x5f: {  	_ =	shalt  }
0x60: {  	_ =	shalt  }
0x61: {  	_ =	shalt  }
0x62: {  	_ =	shalt  }
0x63: {  	_ =	shalt  }
0x64: {  	_ =	shalt  }
0x65: {  	_ =	shalt  }
0x66: {  	_ =	shalt  }
0x67: {  	_ =	shalt  }
0x68: {  	_ =	shalt  }
0x69: {  	_ =	shalt  }
0x6a: {  	_ =	shalt  }
0x6b: {  	_ =	shalt  }
0x6c: {  	_ =	shalt  }
0x6d: {  	_ =	shalt  }
0x6e: {  	_ =	shalt  }
0x6f: {  	_ =	shalt  }
0x70: {  	_ =	shalt  }
0x71: {  	_ =	shalt  }
0x72: {  	_ =	shalt  }
0x73: {  	_ =	shalt  }
0x74: {  	_ =	shalt  }
0x75: {  	_ =	shalt  }
0x76: {  	_ =	shalt  }
0x77: {  	_ =	shalt  }
0x78: {  	_ =	shalt  }
0x79: {  	_ =	shalt  }
0x7a: {  	_ =	shalt  }
0x7b: {  	_ =	shalt  }
0x7c: {  	_ =	shalt  }
0x7d: {  	_ =	shalt  }
0x7e: {  	_ =	shalt  }
0x7f: {  	_ =	shalt  }
0x80: {  	_ =	shalt  }
0x81: {  	_ =	shalt  }
0x82: {  	_ =	shalt  }
0x83: {  	_ =	shalt  }
0x84: {  	_ =	shalt  }
0x85: {  	_ =	shalt  }
0x86: {  	_ =	shalt  }
0x87: {  	_ =	shalt  }
.Lfunc_end0:
.L_simem_size_0:
called_computation_lowered:
.L_overlay_start_0:
0x88: {  	s2 =	sld [smem:$0x3FD9]  }
0x89: {  	s3 =	sld [smem:$0x3FFE];
	_ =	sdelay $0x1  }
0x8a: {  	s1 =	srdreg.scid  }
0x8b: {  	s0 =	sand.u32 $0x1, s1  }
0x8c: {  	s17 =	sshll.u32 s0, $0xA;
	s2 =	sadd.s32 s3, s2  }
0x8d: {  	s2 =	sadd.s32 s2, s17  }
0x8e: {  	[smem:$0x3FC6] =	sst s2  }
0x8f: {  	_ = 	snop  }
0x90: {  	s2 =	sld [smem:$0x3FC9]  }
0x91: {  	s18 =	sld [smem:$0x3FD0];
	(tm) =	ssettm $0x1  }
0x92: {  	s4 =	sld [smem:$0x3FFB];
	_ =	sdelay $0x3  }
0x93: {  	_ =	strace s4  }
0x94: {  	s4 =	sld [smem:$0x3FFC];
	_ =	sdelay $0x3  }
0x95: {  	_ =	strace s4  }
0x96: {  	s4 =	sld [smem:$0x3FFD];
	_ =	sdelay $0x3  }
0x97: {  	_ =	strace s4  }
0x98: {  	_ =	strace $0x8FFFFFFF  }
0x99: {  	s19 =	sld [smem:$0x3FDB];
	_ =	sdelay $0x1  }
0x9a: {  	s5 =	simm.s32 $_scs_section_size  }
0x9b: {  	s6 =	simm.s32 $_size__tile_overlayer_lowered;
	s7 =	simm.s32 $_tile_overlayer_lowered  }
0x9c: {  	s22 =	simm.s32 $0x1BFF;
	s21 =	sshll.u32 s7, $0x1;
	s4 =	sadd.s32 s5, s19  }
0x9d: {  	s8 =	simm.s32 $0x0;
	s20 =	sshll.u32 s6, $0x1;
	s6 =	sadd.s32 s21, s4  }
0x9e: {  	[timem:s8], [sflag:s22] =	dma.local [hbm:s6], s20  }
0x9f: {  	_ =	swait.ge [sflag:s22], s20  }
0xa0: {  	s5 =	ssub.s32 $0x0, s20;
	[sflag:s22] =	ssyncset.done $0x0  }
0xa1: {  	[sflag:s22] =	ssyncadd.s32 s5;
	_ =	sdelay $0x1  }
0xa2: {  	s23 =	simm.s32 $0x1B8B  }
0xa3: {  	_ =	swait.ge [sflag:s23], $0x1  }
0xa4: {  	[sflag:s23] =	ssyncset.done $0x0  }
0xa5: {  	s25 =	simm.s32 $0x1B8E;
	s24 =	sld [smem:$0x3FFE];
	[sflag:s23] =	ssyncadd.s32 $0xFFFFFFFF  }
0xa6: {  	s26 =	simm.s32 $execute0_lowered;
	[smem:$0x3FD2] =	sst s25  }
0xa7: {  	s6 =	sshll.u32 s26, $0x1;
	_ =	strace $0x80000046;
	[dreg:$0x1] =	wrdreg $0xFFFFFFFF  }
0xa8: {  	s28 =	simm.s32 $_size_execute0_lowered;
	s4 =	sadd.s32 s4, s6;
	[dreg:$0x0] =	wrdreg $0x0  }
0xa9: {  	s6 =	sshll.u32 s28, $0x1;
	[dreg:$0x2] =	wrdreg s4  }
0xaa: {  	[dreg:$0x3] =	wrdreg s6  }
0xab: {  	[dreg:$0x4] =	wrdreg $0xC0  }
0xac: {  	_ =	task [dreg:s8], $0x5FFFF  }
0xad: {  	[dreg:$0x1] =	wrdreg $0xFFFFFFFF  }
0xae: {  	[dreg:$0x0] =	wrdreg $0x60  }
0xaf: {  	[dreg:$0x2] =	wrdreg s2  }
0xb0: {  	[dreg:$0x3] =	wrdreg s24  }
0xb1: {  	[dreg:$0x4] =	wrdreg s18  }
0xb2: {  	[dreg:$0x5] =	wrdreg $0x9  }
0xb3: {  	_ =	task.clear_ibuf [dreg:s8], $0x6FFFF;
	_ =	strace $0x90000046  }
0xb4: {  	s29 =	simm.s32 $0x9;
	_ =	strace $0x80000048  }
0xb5: {  	_ =	swait.ge [sflag:s29], $0x1  }
0xb6: {  	[sflag:s29] =	ssyncadd.s32 $0xFFFFFFFF  }
0xb7: {  	_ =	strace $0x90000048  }
0xb8: {  	_ =	sfence  }
0xb9: {  	s30 =	sld [smem:$0x0];
	_ =	sdelay $0x2  }
0xba: {  	s31 =	sshll.u32 s1, $0xD;
	s1 =	sshrl.u32 s1, $0x2  }
0xbb: {  	s3 =	sand.u32 $0x4000, s31;
	s1 =	sadd.s32 s1, s30  }
0xbc: {  	s0 =	sor.u32 s3, s0;
	s1 =	sshll.u32 s1, $0x11  }
0xbd: {  	s0 =	sor.u32 s1, s0  }
0xbe: {  	s0 =	sadd.s32 $0x8F2B, s0  }
0xbf: {  	[sflag:s0] =	ssyncadd.remote.s32 $0x1  }
0xc0: {  	_ =	sfence.sel $0xFFFF  }
0xc1: {  	[dreg:$0x0] =	wrdreg $0xFFFFFFFF;
	(pc) =	sbr.abs _section_cstart, $3  }
0xc2: {  	[dreg:$0x1] =	wrdreg $0xFFFFFFFF  }
0xc3: {  	_ =	task.clear_ibuf [dreg:s8], $0x2FFFF;
	_ =	strace $0x9FFFFFFF  }
0xc4: {  	(tm) =	ssettm $0x7FFFFFFF  }
0xc5: {  	_ =	shalt  }
tec
execute0_lowered:
.L_overlay_start_1:
0x0: {  	(tag) =	ssettag $0x1  }
0x1: {  	s1 =	rddreg [dreg:$0x0]  }
0x2: {  	s0 =	rddreg [dreg:$0x1]  }
0x3: {  	s3 =	rddreg [dreg:$0x2]  }
0x4: {  	s2 =	srdreg.scid;
	s5 =	stileid.u32;
	s4 =	simm.s32 $0x0  }
0x5: {  	s14 =	simm.s32 $0x5;
	s18 =	simm.s32 $0x1000;
	s19 =	simm.s32 $0x180000  }
0x6: {  	s20 =	simm.s32 $0x8000;
	s2 =	sand.u32 $0x1, s2;
	s5 =	sshll.u32 s5, $0x1  }
0x7: {  	s21 =	simm.s32 $0x1;
	s22 =	simm.s32 $0x10000;
	s5 =	sor.u32 s2, s5  }
0x8: {  	[smem:$0x7FF] =	sst s4;
	s2 =	ssub.s32 $0x2, s2;
	s6 =	smul.u32 $0x180, s5  }
0x9: {  	s0 =	sadd.s32 $0x400, s0;
	s8 =	sshrl.u32 s2, $0x1;
	s9 =	smul.u32 $0x1800, s5  }
0xa: {  	_ =	strace $0x80000047;
	s7 =	smul.u32 $0x30, s5;
	s2 =	ssub.s32 s2, s8  }
0xb: {  	s6 =	sshrl.u32 s6, $0x3;
	s8 =	sadd.s32 s1, s9;
	s31 =	smax.u32 s2, $0x1  }
0xc: {  	s6 =	sadd.s32 s0, s6;
	s0 =	sadd.s32 s0, s7;
	[dreg:$0x9] =	wrdreg s31  }
.Ltmp0:
0xd: {  	s30 =	sadd.s32 $0x180000, s8;
	[dreg:$0x4] =	wrdreg s0;
	(pc) =	sbr.rel .LBB2_1-.Ltmp0, $4  }
0xe: {  	v0 =	vlaneseq.u32;
	s23 =	simm.s32 $0x2;
	s26 =	sadd.s32 $0x600, s6;
	[dreg:$0x8] =	wrdreg s30  }
0xf: {  	s24 =	simm.s32 $0x3;
	v1 =	vmul.u32 $0xFFFFFFFF, v0;
	s28 =	sadd.s32 $0xC00, s6;
	[dreg:$0x5] =	wrdreg s26  }
0x10: {  	s25 =	simm.s32 $0x4;
	s29 =	sadd.s32 $0x1200, s6;
	[dreg:$0x6] =	wrdreg s28  }
0x11: {  	s5 =	smul.u32 $0x18, s5;
	v1 =	vadd.s32 $0xFF, v1;
	[dreg:$0x7] =	wrdreg s29;
	s26 =	simm.s32 $0x0  }
.LBB2_10:
0x12: {  	_ =	swait.ge [sflag:s23], $0x8000  }
0x13: {  	[sflag:s23] =	ssyncset.done $0x0  }
0x14: {  	[sflag:s23] =	ssyncadd.s32 $0xFFFF8000  }
0x15: {  	_ =	swait.ge [sflag:s24], $0x8000  }
0x16: {  	[sflag:s24] =	ssyncset.done $0x0  }
0x17: {  	[sflag:s24] =	ssyncadd.s32 $0xFFFF8000  }
0x18: {  	_ =	swait.ge [sflag:s25], $0x8000  }
0x19: {  	s26 =	sadd.s32 $0x1, s26;
	s0 =	rddreg [dreg:$0x9]  }
0x1a: {  	p0 =	sne.s32 s26, s0  }
.Ltmp1:
0x1b: {  	_ = 	snop;
	(pc) =	sbr.rel @!p0 .LBB2_11-.Ltmp1, $3  }
0x1c: {  	_ =	sdelay $0x1  }
0x1d: {  	[sflag:s25] =	ssyncset.done $0x0  }
0x1e: {  	[sflag:s25] =	ssyncadd.s32 $0xFFFF8000  }
.LBB2_1:
0x1f: {  	s0 =	rddreg [dreg:$0x4];
	s2 =	simm.s32 $0x18000  }
0x20: {  	[tilespmem:s2], [sflag:$0x5] =	stream.linear.gather [hbm4b:s0+s4], $0x180, $0x38;
	[tilespmem:$0x18600] =	vst v63  }
0x21: {  	_ =	swait.ge [sflag:s14], $0x180  }
0x22: {  	[sflag:s14] =	ssyncset.done $0x0  }
0x23: {  	s15 =	simm.s32 $0x18180;
	s13 =	rddreg [dreg:$0x5];
	[sflag:s14] =	ssyncadd.s32 $0xFFFFFE80  }
0x24: {  	[tilespmem:s15], [sflag:$0x5] =	stream.linear.gather [hbm4b:s13+s4], $0x180, $0x38;
	[tilespmem:$0x18600] =	vst v63  }
0x25: {  	_ =	swait.ge [sflag:s14], $0x180  }
0x26: {  	[sflag:s14] =	ssyncset.done $0x0  }
0x27: {  	s17 =	simm.s32 $0x18300;
	s16 =	rddreg [dreg:$0x6];
	[sflag:s14] =	ssyncadd.s32 $0xFFFFFE80  }
0x28: {  	[tilespmem:s17], [sflag:$0x5] =	stream.linear.gather [hbm4b:s16+s4], $0x180, $0x38;
	[tilespmem:$0x18600] =	vst v63  }
0x29: {  	_ =	swait.ge [sflag:s14], $0x180  }
0x2a: {  	[sflag:s14] =	ssyncset.done $0x0  }
0x2b: {  	s30 =	simm.s32 $0x18480;
	s29 =	rddreg [dreg:$0x7];
	[sflag:s14] =	ssyncadd.s32 $0xFFFFFE80  }
0x2c: {  	[tilespmem:s30], [sflag:$0x5] =	stream.linear.gather [hbm4b:s29+s4], $0x180, $0x38;
	[tilespmem:$0x18600] =	vst v63  }
0x2d: {  	_ =	swait.ge [sflag:s14], $0x180  }
0x2e: {  	[sflag:s14] =	ssyncset.done $0x0  }
0x2f: {  	[sflag:s14] =	ssyncadd.s32 $0xFFFFFE80  }
0x30: {  	[tilespmem:s4], [sflag:$0x1] =	stream.strided.gather [hbm4b:s8+s18], $0x8000, s19, s18, $0x38;
	[tilespmem:$0x18600] =	vst v63  }
0x31: {  	s28 =	simm.s32 $0x0;
	s31 =	rddreg [dreg:$0x8]  }
0x32: {  	[tilespmem:s20], [sflag:$0x1] =	stream.strided.gather [hbm4b:s31+s18], $0x8000, s19, s18, $0x38;
	[tilespmem:$0x18600] =	vst v63  }
.LBB2_2:
0x33: {  	s29 =	smul.u32 $0x3, s28  }
0x34: {  	_ =	swait.ge [sflag:s21], $0x8000;
	s2 =	simm.s32 $0x0;
	s9 =	smul.u32 $0x30, s28  }
0x35: {  	[sflag:s21] =	ssyncset.done $0x0;
	s10 =	sand.u32 $0xF0, s2  }
0x36: {  	s0 =	sand.u32 $0x1E, s29;
	[sflag:s21] =	ssyncadd.s32 $0xFFFF8000;
	v7 =	vmov s10;
	s9 =	sor.u32 $0x10, s9  }
0x37: {  	s6 =	sshll.u32 s0, $0x4;
	v10 =	vsub.s32 v1, v7;
	v7 =	vld [tilespmem:s9+$0x18000]  }
0x38: {  	v3 =	vld [tilespmem:s6+$0x18300]  }
0x39: {  	v4 =	vld [tilespmem:s6+$0x18480]  }
0x3a: {  	s7 =	smul.u32 $0xC0, s28;
	v5 =	vld [tilespmem:s6+$0x18310]  }
0x3b: {  	s13 =	simm.s32 $0x0;
	v8 =	vld [tilespmem:s6+$0x18490]  }
0x3c: {  	s17 =	sxor.u32 $0x7, s13;
	s7 =	sand.u32 $0x780, s7;
	v9 =	vor.u32 s10, v0;
	v6 =	vld [tilespmem:s6+$0x18190]  }
0x3d: {  	s7 =	sshrl.u32 s7, $0x2;
	v2 =	vld [tilespmem:s6+$0x18180];
	s6 =	smin.u32 s13, s17;
	v10 =	vmin.u32 v9, v10  }
0x3e: {  	v9 =	vld [tilespmem:s7+$0x18000];
	v10 =	vmin.u32 v10, s6  }
0x3f: {  	vm0 =	veq.s32 v10, $0x2  }
0x40: {  	s30 =	sand.u32 $0x400, s2;
	vm1 =	veq.s32 v10, $0x1;
	v11 =	vsel vm0, v5, v8  }
0x41: {  	s31 =	sand.u32 $0x70, s2;
	s6 =	sadd.s32 $0x0, s30;
	vm15 =	veq.s32 v10, $0x0;
	v12 =	vsel vm0, v3, v4;
	v10 =	vsel vm1, v6, v11  }
0x42: {  	s13 =	sor.u32 s31, s6;
	v11 =	vsel vm1, v2, v12;
	v10 =	vsel vm15, v7, v10  }
0x43: {  	v11 =	vsel vm15, v9, v11;
	[tilespmem:s13+$0x7800] =	vst.add.f32.msk $0xffff, v10  }
0x44: {  	[tilespmem:s13+$0x0] =	vst.add.f32.msk $0xffff, v11  }
0x45: {  	[tilespmem:s13+$0x1000] =	vst.add.f32.msk $0xffff, v11  }
0x46: {  	[tilespmem:s13+$0x2000] =	vst.add.f32.msk $0xffff, v11  }
0x47: {  	[tilespmem:s13+$0x3000] =	vst.add.f32.msk $0xffff, v11  }
0x48: {  	[tilespmem:s13+$0x4000] =	vst.add.f32.msk $0xffff, v11  }
0x49: {  	s15 =	simm.s32 $0x10;
	[tilespmem:s13+$0x5000] =	vst.add.f32.msk $0xffff, v11  }
0x4a: {  	s9 =	sand.u32 $0xF0, s15;
	s7 =	simm.s32 $0x2;
	s6 =	simm.s32 $0x1;
	[tilespmem:s13+$0x6000] =	vst.add.f32.msk $0xffff, v11  }
.LBB2_3:
0x4b: {  	p0 =	sne.s32 s7, $0x7F;
	s10 =	sshrl.u32 s6, $0x4;
	v12 =	vmov s9;
	[tilespmem:s13+$0x7000] =	vst.add.f32.msk $0xffff, v11;
	s6 =	smov.u32 s7  }
0x4c: {  	v11 =	vor.u32 s9, v0;
	s9 =	sxor.u32 $0x7, s10;
	v12 =	vsub.s32 v1, v12;
	[tilespmem:s13+$0x800] =	vst.add.f32.msk $0xffff, v10  }
0x4d: {  	s9 =	smin.u32 s10, s9;
	v11 =	vmin.u32 v11, v12;
	[tilespmem:s13+$0x1800] =	vst.add.f32.msk $0xffff, v10  }
0x4e: {  	v11 =	vmin.u32 v11, s9;
	[tilespmem:s13+$0x2800] =	vst.add.f32.msk $0xffff, v10  }
0x4f: {  	s2 =	sadd.s32 $0x80, s2;
	vm0 =	veq.s32 v11, $0x2;
	[tilespmem:s13+$0x3800] =	vst.add.f32.msk $0xffff, v10  }
0x50: {  	s10 =	sshll.u32 s10, $0x7;
	s9 =	sand.u32 $0x400, s2;
	vm1 =	veq.s32 v11, $0x1;
	v12 =	vsel vm0, v3, v4;
	v13 =	vsel vm0, v5, v8;
	[tilespmem:s13+$0x4800] =	vst.add.f32.msk $0xffff, v10  }
0x51: {  	s16 =	sand.u32 $0x70, s15;
	s9 =	sadd.s32 s10, s9;
	vm0 =	veq.s32 v11, $0x0;
	v11 =	vsel vm1, v2, v12;
	v12 =	vsel vm1, v6, v13;
	[tilespmem:s13+$0x5800] =	vst.add.f32.msk $0xffff, v10  }
0x52: {  	v11 =	vsel vm0, v9, v11;
	[tilespmem:s13+$0x6800] =	vst.add.f32.msk $0xffff, v10;
	v10 =	vsel vm0, v7, v12;
	s13 =	sor.u32 s16, s9  }
0x53: {  	[tilespmem:s13+$0x7800] =	vst.add.f32.msk $0xffff, v10  }
0x54: {  	[tilespmem:s13+$0x0] =	vst.add.f32.msk $0xffff, v11  }
0x55: {  	[tilespmem:s13+$0x1000] =	vst.add.f32.msk $0xffff, v11  }
.Ltmp2:
0x56: {  	[tilespmem:s13+$0x2000] =	vst.add.f32.msk $0xffff, v11;
	(pc) =	sbr.rel @p0 .LBB2_3-.Ltmp2, $4  }
0x57: {  	[tilespmem:s13+$0x3000] =	vst.add.f32.msk $0xffff, v11  }
0x58: {  	[tilespmem:s13+$0x4000] =	vst.add.f32.msk $0xffff, v11  }
0x59: {  	s15 =	sadd.s32 $0x10, s15;
	[tilespmem:s13+$0x5000] =	vst.add.f32.msk $0xffff, v11  }
0x5a: {  	s7 =	sadd.s32 $0x1, s7;
	s9 =	sand.u32 $0xF0, s15;
	[tilespmem:s13+$0x6000] =	vst.add.f32.msk $0xffff, v11  }
0x5b: {  	s6 =	sshrl.u32 s6, $0x4;
	v12 =	vmov s9;
	[tilespmem:s13+$0x7000] =	vst.add.f32.msk $0xffff, v11  }
0x5c: {  	v11 =	vor.u32 s9, v0;
	[tilespmem:s13+$0x800] =	vst.add.f32.msk $0xffff, v10;
	s7 =	sxor.u32 $0x7, s6;
	v12 =	vsub.s32 v1, v12  }
0x5d: {  	[tilespmem:s13+$0x1800] =	vst.add.f32.msk $0xffff, v10;
	s7 =	smin.u32 s6, s7;
	v11 =	vmin.u32 v11, v12  }
0x5e: {  	[tilespmem:s13+$0x2800] =	vst.add.f32.msk $0xffff, v10;
	v11 =	vmin.u32 v11, s7  }
0x5f: {  	[tilespmem:s13+$0x3800] =	vst.add.f32.msk $0xffff, v10;
	s2 =	sadd.s32 $0x80, s2;
	vm0 =	veq.s32 v11, $0x2  }
0x60: {  	[tilespmem:s13+$0x4800] =	vst.add.f32.msk $0xffff, v10;
	s2 =	sand.u32 $0x400, s2;
	s6 =	sshll.u32 s6, $0x7;
	vm1 =	veq.s32 v11, $0x1;
	v5 =	vsel vm0, v5, v8  }
0x61: {  	s15 =	sand.u32 $0x70, s15;
	[tilespmem:s13+$0x5800] =	vst.add.f32.msk $0xffff, v10;
	s2 =	sadd.s32 s6, s2;
	vm12 =	veq.s32 v11, $0x0;
	v3 =	vsel vm0, v3, v4;
	v4 =	vsel vm1, v6, v5  }
0x62: {  	[tilespmem:s13+$0x6800] =	vst.add.f32.msk $0xffff, v10;
	s2 =	sor.u32 s15, s2;
	v2 =	vsel vm1, v2, v3;
	v3 =	vsel vm12, v7, v4  }
0x63: {  	v2 =	vsel vm12, v9, v2;
	[tilespmem:s2+$0x7800] =	vst.add.f32.msk $0xffff, v3  }
0x64: {  	[tilespmem:s2+$0x0] =	vst.add.f32.msk $0xffff, v2  }
0x65: {  	[tilespmem:s2+$0x1000] =	vst.add.f32.msk $0xffff, v2  }
0x66: {  	[tilespmem:s2+$0x2000] =	vst.add.f32.msk $0xffff, v2  }
0x67: {  	[tilespmem:s2+$0x3000] =	vst.add.f32.msk $0xffff, v2  }
0x68: {  	[tilespmem:s2+$0x4000] =	vst.add.f32.msk $0xffff, v2  }
0x69: {  	[tilespmem:s2+$0x5000] =	vst.add.f32.msk $0xffff, v2  }
0x6a: {  	[tilespmem:s2+$0x6000] =	vst.add.f32.msk $0xffff, v2  }
0x6b: {  	[tilespmem:s2+$0x7000] =	vst.add.f32.msk $0xffff, v2  }
0x6c: {  	s16 =	sshll.u32 s28, $0x3;
	[tilespmem:s2+$0x800] =	vst.add.f32.msk $0xffff, v3  }
0x6d: {  	s6 =	sand.u32 $0x8, s16;
	[tilespmem:s2+$0x1800] =	vst.add.f32.msk $0xffff, v3  }
0x6e: {  	s0 =	sadd.s32 s5, s0;
	s30 =	smul.u32 $0x180000, s6;
	[tilespmem:s2+$0x2800] =	vst.add.f32.msk $0xffff, v3  }
0x6f: {  	s0 =	sshll.u32 s0, $0xB;
	[tilespmem:s2+$0x3800] =	vst.add.f32.msk $0xffff, v3  }
0x70: {  	s0 =	sor.u32 s30, s0;
	[tilespmem:s2+$0x4800] =	vst.add.f32.msk $0xffff, v3  }
0x71: {  	s0 =	sshrl.u32 s0, $0x3;
	[tilespmem:s2+$0x5800] =	vst.add.f32.msk $0xffff, v3  }
0x72: {  	[tilespmem:s2+$0x6800] =	vst.add.f32.msk $0xffff, v3;
	s0 =	sadd.s32 s3, s0  }
0x73: {  	[hbm4b:s0+s18] =	stream.strided.scatter [tilespmem:s4], [sflag:$0x2], $0x8000, s19, s18, $0x38;
	[tilespmem:$0x18600] =	vst v63  }
0x74: {  	s0 =	sadd.s32 $0x2, s29  }
0x75: {  	s2 =	sand.u32 $0x3E, s0  }
0x76: {  	p0 =	seq.s32 s28, $0x0;
	s17 =	sadd.s32 s5, s2  }
0x77: {  	s7 =	simm.s32 @!p0 $0x4;
	s6 =	sshll.u32 s17, $0xB  }
0x78: {  	_ =	swait.ge @!p0 [sflag:s7], $0x8000;
	s6 =	sor.u32 s30, s6  }
0x79: {  	[sflag:s7] =	ssyncset.done @!p0 $0x0;
	s31 =	sshrl.u32 s6, $0x3  }
0x7a: {  	[sflag:s7] =	ssyncadd.s32 @!p0 $0xFFFF8000;
	s6 =	sadd.s32 s1, s31  }
0x7b: {  	[tilespmem:s22], [sflag:$0x1] =	stream.strided.gather [hbm4b:s6+s18], $0x8000, s19, s18, $0x38;
	[tilespmem:$0x18600] =	vst v63  }
0x7c: {  	s15 =	sadd.s32 $0x1, s29;
	_ =	swait.ge [sflag:s21], $0x8000  }
0x7d: {  	s13 =	sand.u32 $0x3E, s15;
	[sflag:s21] =	ssyncset.done $0x0  }
0x7e: {  	s9 =	sshll.u32 s13, $0x4;
	[sflag:s21] =	ssyncadd.s32 $0xFFFF8000  }
0x7f: {  	v2 =	vld [tilespmem:s9+$0x18180]  }
0x80: {  	v3 =	vld [tilespmem:s9+$0x18300]  }
0x81: {  	s16 =	simm.s32 $0x0;
	v4 =	vld [tilespmem:s9+$0x18480]  }
0x82: {  	s11 =	sand.u32 $0xF0, s16;
	v5 =	vld [tilespmem:s9+$0x18310]  }
0x83: {  	s10 =	simm.s32 $0x0;
	s12 =	sshll.u32 s15, $0x4;
	v7 =	vmov s11;
	v9 =	vld [tilespmem:s9+$0x18490]  }
0x84: {  	v8 =	vor.u32 s11, v0;
	v10 =	vsub.s32 v1, v7;
	s17 =	sor.u32 $0x10, s12;
	s7 =	sxor.u32 $0x7, s10;
	v6 =	vld [tilespmem:s9+$0x18190]  }
0x85: {  	s11 =	sand.u32 $0x3E0, s12;
	v10 =	vmin.u32 v8, v10;
	s6 =	smin.u32 s10, s7;
	v7 =	vld [tilespmem:s17+$0x18000]  }
0x86: {  	v10 =	vmin.u32 v10, s6;
	v8 =	vld [tilespmem:s11+$0x18000]  }
0x87: {  	vm13 =	veq.s32 v10, $0x2  }
0x88: {  	s12 =	sand.u32 $0x400, s16;
	vm14 =	veq.s32 v10, $0x1;
	v11 =	vsel vm13, v5, v9  }
0x89: {  	s6 =	sadd.s32 $0x0, s12;
	vm15 =	veq.s32 v10, $0x0;
	s17 =	sand.u32 $0x70, s16;
	v63 =	vsel vm13, v3, v4;
	v10 =	vsel vm14, v6, v11  }
0x8a: {  	s17 =	sor.u32 s17, s6;
	v11 =	vsel vm14, v2, v63;
	v10 =	vsel vm15, v7, v10  }
0x8b: {  	v11 =	vsel vm15, v8, v11;
	[tilespmem:s17+$0xF800] =	vst.add.f32.msk $0xffff, v10  }
0x8c: {  	[tilespmem:s17+$0x8000] =	vst.add.f32.msk $0xffff, v11  }
0x8d: {  	[tilespmem:s17+$0x9000] =	vst.add.f32.msk $0xffff, v11  }
0x8e: {  	[tilespmem:s17+$0xA000] =	vst.add.f32.msk $0xffff, v11  }
0x8f: {  	[tilespmem:s17+$0xB000] =	vst.add.f32.msk $0xffff, v11  }
0x90: {  	[tilespmem:s17+$0xC000] =	vst.add.f32.msk $0xffff, v11  }
0x91: {  	s6 =	simm.s32 $0x10;
	[tilespmem:s17+$0xD000] =	vst.add.f32.msk $0xffff, v11  }
0x92: {  	s7 =	simm.s32 $0x1;
	s9 =	simm.s32 $0x2;
	s10 =	sand.u32 $0xF0, s6;
	[tilespmem:s17+$0xE000] =	vst.add.f32.msk $0xffff, v11  }
.LBB2_5:
0x93: {  	p0 =	sne.s32 s9, $0x7F;
	s11 =	sshrl.u32 s7, $0x4;
	v12 =	vmov s10;
	[tilespmem:s17+$0xF000] =	vst.add.f32.msk $0xffff, v11;
	s7 =	smov.u32 s9  }
0x94: {  	v11 =	vor.u32 s10, v0;
	s10 =	sxor.u32 $0x7, s11;
	v12 =	vsub.s32 v1, v12;
	[tilespmem:s17+$0x8800] =	vst.add.f32.msk $0xffff, v10  }
0x95: {  	s10 =	smin.u32 s11, s10;
	v11 =	vmin.u32 v11, v12;
	[tilespmem:s17+$0x9800] =	vst.add.f32.msk $0xffff, v10  }
0x96: {  	v11 =	vmin.u32 v11, s10;
	[tilespmem:s17+$0xA800] =	vst.add.f32.msk $0xffff, v10  }
0x97: {  	s16 =	sadd.s32 $0x80, s16;
	vm0 =	veq.s32 v11, $0x2;
	[tilespmem:s17+$0xB800] =	vst.add.f32.msk $0xffff, v10  }
0x98: {  	s11 =	sshll.u32 s11, $0x7;
	s10 =	sand.u32 $0x400, s16;
	vm1 =	veq.s32 v11, $0x1;
	v12 =	vsel vm0, v3, v4;
	v13 =	vsel vm0, v5, v9;
	[tilespmem:s17+$0xC800] =	vst.add.f32.msk $0xffff, v10  }
0x99: {  	s12 =	sand.u32 $0x70, s6;
	s10 =	sadd.s32 s11, s10;
	vm0 =	veq.s32 v11, $0x0;
	v11 =	vsel vm1, v2, v12;
	v12 =	vsel vm1, v6, v13;
	[tilespmem:s17+$0xD800] =	vst.add.f32.msk $0xffff, v10  }
0x9a: {  	v11 =	vsel vm0, v8, v11;
	[tilespmem:s17+$0xE800] =	vst.add.f32.msk $0xffff, v10;
	v10 =	vsel vm0, v7, v12;
	s17 =	sor.u32 s12, s10  }
0x9b: {  	[tilespmem:s17+$0xF800] =	vst.add.f32.msk $0xffff, v10  }
0x9c: {  	[tilespmem:s17+$0x8000] =	vst.add.f32.msk $0xffff, v11  }
0x9d: {  	[tilespmem:s17+$0x9000] =	vst.add.f32.msk $0xffff, v11  }
.Ltmp3:
0x9e: {  	[tilespmem:s17+$0xA000] =	vst.add.f32.msk $0xffff, v11;
	(pc) =	sbr.rel @p0 .LBB2_5-.Ltmp3, $4  }
0x9f: {  	[tilespmem:s17+$0xB000] =	vst.add.f32.msk $0xffff, v11  }
0xa0: {  	[tilespmem:s17+$0xC000] =	vst.add.f32.msk $0xffff, v11  }
0xa1: {  	s6 =	sadd.s32 $0x10, s6;
	[tilespmem:s17+$0xD000] =	vst.add.f32.msk $0xffff, v11  }
0xa2: {  	s9 =	sadd.s32 $0x1, s9;
	s10 =	sand.u32 $0xF0, s6;
	[tilespmem:s17+$0xE000] =	vst.add.f32.msk $0xffff, v11  }
0xa3: {  	s7 =	sshrl.u32 s7, $0x4;
	v12 =	vmov s10;
	[tilespmem:s17+$0xF000] =	vst.add.f32.msk $0xffff, v11  }
0xa4: {  	v11 =	vor.u32 s10, v0;
	[tilespmem:s17+$0x8800] =	vst.add.f32.msk $0xffff, v10;
	s9 =	sxor.u32 $0x7, s7;
	v12 =	vsub.s32 v1, v12  }
0xa5: {  	[tilespmem:s17+$0x9800] =	vst.add.f32.msk $0xffff, v10;
	s9 =	smin.u32 s7, s9;
	v11 =	vmin.u32 v11, v12  }
0xa6: {  	[tilespmem:s17+$0xA800] =	vst.add.f32.msk $0xffff, v10;
	v11 =	vmin.u32 v11, s9  }
0xa7: {  	[tilespmem:s17+$0xB800] =	vst.add.f32.msk $0xffff, v10;
	s12 =	sadd.s32 $0x80, s16;
	vm0 =	veq.s32 v11, $0x2  }
0xa8: {  	[tilespmem:s17+$0xC800] =	vst.add.f32.msk $0xffff, v10;
	s7 =	sshll.u32 s7, $0x7;
	s9 =	sand.u32 $0x400, s12;
	vm1 =	veq.s32 v11, $0x1;
	v5 =	vsel vm0, v5, v9  }
0xa9: {  	s6 =	sand.u32 $0x70, s6;
	[tilespmem:s17+$0xD800] =	vst.add.f32.msk $0xffff, v10;
	vm12 =	veq.s32 v11, $0x0;
	s7 =	sadd.s32 s7, s9;
	v3 =	vsel vm0, v3, v4;
	v4 =	vsel vm1, v6, v5  }
0xaa: {  	[tilespmem:s17+$0xE800] =	vst.add.f32.msk $0xffff, v10;
	s6 =	sor.u32 s6, s7;
	v2 =	vsel vm1, v2, v3;
	v3 =	vsel vm12, v7, v4  }
0xab: {  	v2 =	vsel vm12, v8, v2;
	[tilespmem:s6+$0xF800] =	vst.add.f32.msk $0xffff, v3  }
0xac: {  	[tilespmem:s6+$0x8000] =	vst.add.f32.msk $0xffff, v2  }
0xad: {  	[tilespmem:s6+$0x9000] =	vst.add.f32.msk $0xffff, v2  }
0xae: {  	[tilespmem:s6+$0xA000] =	vst.add.f32.msk $0xffff, v2  }
0xaf: {  	[tilespmem:s6+$0xB000] =	vst.add.f32.msk $0xffff, v2  }
0xb0: {  	[tilespmem:s6+$0xC000] =	vst.add.f32.msk $0xffff, v2  }
0xb1: {  	[tilespmem:s6+$0xD000] =	vst.add.f32.msk $0xffff, v2  }
0xb2: {  	[tilespmem:s6+$0xE000] =	vst.add.f32.msk $0xffff, v2  }
0xb3: {  	[tilespmem:s6+$0xF000] =	vst.add.f32.msk $0xffff, v2  }
0xb4: {  	[tilespmem:s6+$0x8800] =	vst.add.f32.msk $0xffff, v3  }
0xb5: {  	s16 =	sshll.u32 s15, $0x3;
	[tilespmem:s6+$0x9800] =	vst.add.f32.msk $0xffff, v3  }
0xb6: {  	s7 =	sand.u32 $0x8, s16;
	[tilespmem:s6+$0xA800] =	vst.add.f32.msk $0xffff, v3  }
0xb7: {  	s17 =	sadd.s32 s5, s13;
	s7 =	smul.u32 $0x180000, s7;
	[tilespmem:s6+$0xB800] =	vst.add.f32.msk $0xffff, v3  }
0xb8: {  	s9 =	sshll.u32 s17, $0xB;
	[tilespmem:s6+$0xC800] =	vst.add.f32.msk $0xffff, v3  }
0xb9: {  	p0 =	seq.s32 s28, $0x7;
	s7 =	sor.u32 s9, s7;
	[tilespmem:s6+$0xD800] =	vst.add.f32.msk $0xffff, v3  }
0xba: {  	[tilespmem:s6+$0xE800] =	vst.add.f32.msk $0xffff, v3;
	s6 =	sadd.s32 @!p0 $0x3, s29;
	s7 =	sshrl.u32 s7, $0x3  }
0xbb: {  	s9 =	sadd.s32 s3, s7;
	s7 =	sshll.u32 @!p0 s6, $0x3  }
0xbc: {  	[hbm4b:s9+s18] =	stream.strided.scatter [tilespmem:s20], [sflag:$0x3], $0x8000, s19, s18, $0x38;
	[tilespmem:$0x18600] =	vst v63  }
0xbd: {  	s6 =	sand.u32 @!p0 $0x3E, s6;
	s7 =	sand.u32 @!p0 $0x8, s7  }
0xbe: {  	s6 =	sadd.s32 @!p0 s5, s6;
	s9 =	simm.s32 @!p0 $0x2;
	s7 =	smul.u32 @!p0 $0x180000, s7  }
0xbf: {  	s6 =	sshll.u32 @!p0 s6, $0xB;
	_ =	swait.ge @!p0 [sflag:s9], $0x8000  }
0xc0: {  	[sflag:s9] =	ssyncset.done @!p0 $0x0;
	s6 =	sor.u32 @!p0 s6, s7  }
0xc1: {  	s10 =	simm.s32 @!p0 $0x0;
	[sflag:s9] =	ssyncadd.s32 @!p0 $0xFFFF8000;
	s6 =	sshrl.u32 @!p0 s6, $0x3  }
0xc2: {  	s7 =	simm.s32 @!p0 $0x1000;
	s9 =	simm.s32 @!p0 $0x180000;
	s6 =	sadd.s32 @!p0 s1, s6  }
0xc3: {  	[tilespmem:s10], [sflag:$0x1] =	stream.strided.gather @!p0 [hbm4b:s6+s7], $0x8000, s9, s7, $0x38;
	[tilespmem:$0x18600] =	vst v63  }
0xc4: {  	_ =	swait.ge [sflag:s21], $0x8000  }
0xc5: {  	s10 =	sshll.u32 s2, $0x4;
	[sflag:s21] =	ssyncset.done $0x0  }
0xc6: {  	s2 =	sand.u32 $0x3E0, s10;
	[sflag:s21] =	ssyncadd.s32 $0xFFFF8000  }
0xc7: {  	v2 =	vld [tilespmem:s2+$0x18180]  }
0xc8: {  	v3 =	vld [tilespmem:s2+$0x18300]  }
0xc9: {  	v4 =	vld [tilespmem:s2+$0x18480];
	s2 =	simm.s32 $0x0  }
0xca: {  	v5 =	vld [tilespmem:s10+$0x18310];
	s11 =	sand.u32 $0xF0, s2  }
0xcb: {  	s0 =	sshll.u32 s0, $0x4;
	s12 =	simm.s32 $0x0;
	v9 =	vld [tilespmem:s10+$0x18490];
	v7 =	vmov s11  }
0xcc: {  	s13 =	sor.u32 $0x10, s0;
	s15 =	sxor.u32 $0x7, s12;
	v6 =	vld [tilespmem:s10+$0x18190];
	v8 =	vor.u32 s11, v0;
	v10 =	vsub.s32 v1, v7  }
0xcd: {  	s0 =	sand.u32 $0x3E0, s0;
	s6 =	smin.u32 s12, s15;
	v7 =	vld [tilespmem:s13+$0x18000];
	v10 =	vmin.u32 v8, v10  }
0xce: {  	v8 =	vld [tilespmem:s0+$0x18000];
	v10 =	vmin.u32 v10, s6  }
0xcf: {  	vm13 =	veq.s32 v10, $0x2  }
0xd0: {  	s16 =	sand.u32 $0x400, s2;
	vm14 =	veq.s32 v10, $0x1;
	v11 =	vsel vm13, v5, v9  }
0xd1: {  	s17 =	sand.u32 $0x70, s2;
	s0 =	sadd.s32 $0x0, s16;
	vm15 =	veq.s32 v10, $0x0;
	v63 =	vsel vm13, v3, v4;
	v10 =	vsel vm14, v6, v11  }
0xd2: {  	s0 =	sor.u32 s17, s0;
	v11 =	vsel vm14, v2, v63;
	v10 =	vsel vm15, v7, v10  }
0xd3: {  	v11 =	vsel vm15, v8, v11;
	[tilespmem:s0+$0x17800] =	vst.add.f32.msk $0xffff, v10  }
0xd4: {  	[tilespmem:s0+$0x10000] =	vst.add.f32.msk $0xffff, v11  }
0xd5: {  	[tilespmem:s0+$0x11000] =	vst.add.f32.msk $0xffff, v11  }
0xd6: {  	[tilespmem:s0+$0x12000] =	vst.add.f32.msk $0xffff, v11  }
0xd7: {  	[tilespmem:s0+$0x13000] =	vst.add.f32.msk $0xffff, v11  }
0xd8: {  	[tilespmem:s0+$0x14000] =	vst.add.f32.msk $0xffff, v11  }
0xd9: {  	s6 =	simm.s32 $0x10;
	[tilespmem:s0+$0x15000] =	vst.add.f32.msk $0xffff, v11  }
0xda: {  	s7 =	simm.s32 $0x1;
	s9 =	simm.s32 $0x2;
	s10 =	sand.u32 $0xF0, s6;
	[tilespmem:s0+$0x16000] =	vst.add.f32.msk $0xffff, v11  }
.LBB2_7:
0xdb: {  	p1 =	sne.s32 s9, $0x7F;
	s11 =	sshrl.u32 s7, $0x4;
	v12 =	vmov s10;
	[tilespmem:s0+$0x17000] =	vst.add.f32.msk $0xffff, v11;
	s7 =	smov.u32 s9  }
0xdc: {  	v11 =	vor.u32 s10, v0;
	s10 =	sxor.u32 $0x7, s11;
	v12 =	vsub.s32 v1, v12;
	[tilespmem:s0+$0x10800] =	vst.add.f32.msk $0xffff, v10  }
0xdd: {  	s10 =	smin.u32 s11, s10;
	v11 =	vmin.u32 v11, v12;
	[tilespmem:s0+$0x11800] =	vst.add.f32.msk $0xffff, v10  }
0xde: {  	v11 =	vmin.u32 v11, s10;
	[tilespmem:s0+$0x12800] =	vst.add.f32.msk $0xffff, v10  }
0xdf: {  	s2 =	sadd.s32 $0x80, s2;
	vm0 =	veq.s32 v11, $0x2;
	[tilespmem:s0+$0x13800] =	vst.add.f32.msk $0xffff, v10  }
0xe0: {  	s11 =	sshll.u32 s11, $0x7;
	s10 =	sand.u32 $0x400, s2;
	vm1 =	veq.s32 v11, $0x1;
	v12 =	vsel vm0, v3, v4;
	v13 =	vsel vm0, v5, v9;
	[tilespmem:s0+$0x14800] =	vst.add.f32.msk $0xffff, v10  }
0xe1: {  	s12 =	sand.u32 $0x70, s6;
	s10 =	sadd.s32 s11, s10;
	vm0 =	veq.s32 v11, $0x0;
	v11 =	vsel vm1, v2, v12;
	v12 =	vsel vm1, v6, v13;
	[tilespmem:s0+$0x15800] =	vst.add.f32.msk $0xffff, v10  }
0xe2: {  	v11 =	vsel vm0, v8, v11;
	[tilespmem:s0+$0x16800] =	vst.add.f32.msk $0xffff, v10;
	v10 =	vsel vm0, v7, v12;
	s0 =	sor.u32 s12, s10  }
0xe3: {  	[tilespmem:s0+$0x17800] =	vst.add.f32.msk $0xffff, v10  }
0xe4: {  	[tilespmem:s0+$0x10000] =	vst.add.f32.msk $0xffff, v11  }
0xe5: {  	[tilespmem:s0+$0x11000] =	vst.add.f32.msk $0xffff, v11  }
.Ltmp4:
0xe6: {  	[tilespmem:s0+$0x12000] =	vst.add.f32.msk $0xffff, v11;
	(pc) =	sbr.rel @p1 .LBB2_7-.Ltmp4, $4  }
0xe7: {  	[tilespmem:s0+$0x13000] =	vst.add.f32.msk $0xffff, v11  }
0xe8: {  	[tilespmem:s0+$0x14000] =	vst.add.f32.msk $0xffff, v11  }
0xe9: {  	s6 =	sadd.s32 $0x10, s6;
	[tilespmem:s0+$0x15000] =	vst.add.f32.msk $0xffff, v11  }
0xea: {  	s9 =	sadd.s32 $0x1, s9;
	s10 =	sand.u32 $0xF0, s6;
	[tilespmem:s0+$0x16000] =	vst.add.f32.msk $0xffff, v11  }
0xeb: {  	s7 =	sshrl.u32 s7, $0x4;
	v12 =	vmov s10;
	[tilespmem:s0+$0x17000] =	vst.add.f32.msk $0xffff, v11  }
0xec: {  	v62 =	vor.u32 s10, v0;
	[tilespmem:s0+$0x10800] =	vst.add.f32.msk $0xffff, v10;
	s9 =	sxor.u32 $0x7, s7;
	v12 =	vsub.s32 v1, v12  }
0xed: {  	[tilespmem:s0+$0x11800] =	vst.add.f32.msk $0xffff, v10;
	s9 =	smin.u32 s7, s9;
	v11 =	vmin.u32 v62, v12  }
0xee: {  	[tilespmem:s0+$0x12800] =	vst.add.f32.msk $0xffff, v10;
	v11 =	vmin.u32 v11, s9  }
0xef: {  	[tilespmem:s0+$0x13800] =	vst.add.f32.msk $0xffff, v10;
	s2 =	sadd.s32 $0x80, s2;
	vm0 =	veq.s32 v11, $0x2  }
0xf0: {  	[tilespmem:s0+$0x14800] =	vst.add.f32.msk $0xffff, v10;
	s2 =	sand.u32 $0x400, s2;
	s7 =	sshll.u32 s7, $0x7;
	vm1 =	veq.s32 v11, $0x1;
	v5 =	vsel vm0, v5, v9  }
0xf1: {  	s6 =	sand.u32 $0x70, s6;
	[tilespmem:s0+$0x15800] =	vst.add.f32.msk $0xffff, v10;
	s2 =	sadd.s32 s7, s2;
	vm15 =	veq.s32 v11, $0x0;
	v3 =	vsel vm0, v3, v4;
	v63 =	vsel vm1, v6, v5  }
0xf2: {  	[tilespmem:s0+$0x16800] =	vst.add.f32.msk $0xffff, v10;
	s2 =	sor.u32 s6, s2;
	v2 =	vsel vm1, v2, v3;
	v3 =	vsel vm15, v7, v63  }
0xf3: {  	v2 =	vsel vm15, v8, v2;
	[tilespmem:s2+$0x17800] =	vst.add.f32.msk $0xffff, v3  }
0xf4: {  	[tilespmem:s2+$0x10000] =	vst.add.f32.msk $0xffff, v2  }
0xf5: {  	[tilespmem:s2+$0x11000] =	vst.add.f32.msk $0xffff, v2  }
0xf6: {  	[tilespmem:s2+$0x12000] =	vst.add.f32.msk $0xffff, v2  }
0xf7: {  	[tilespmem:s2+$0x13000] =	vst.add.f32.msk $0xffff, v2  }
0xf8: {  	[tilespmem:s2+$0x14000] =	vst.add.f32.msk $0xffff, v2  }
0xf9: {  	[tilespmem:s2+$0x15000] =	vst.add.f32.msk $0xffff, v2  }
0xfa: {  	[tilespmem:s2+$0x16000] =	vst.add.f32.msk $0xffff, v2  }
0xfb: {  	[tilespmem:s2+$0x17000] =	vst.add.f32.msk $0xffff, v2  }
0xfc: {  	[tilespmem:s2+$0x10800] =	vst.add.f32.msk $0xffff, v3  }
0xfd: {  	[tilespmem:s2+$0x11800] =	vst.add.f32.msk $0xffff, v3  }
0xfe: {  	[tilespmem:s2+$0x12800] =	vst.add.f32.msk $0xffff, v3  }
.Ltmp5:
0xff: {  	[tilespmem:s2+$0x13800] =	vst.add.f32.msk $0xffff, v3;
	(pc) =	sbr.rel @p0 .LBB2_10-.Ltmp5, $4  }
0x100: {  	[tilespmem:s2+$0x14800] =	vst.add.f32.msk $0xffff, v3  }
0x101: {  	[tilespmem:s2+$0x15800] =	vst.add.f32.msk $0xffff, v3  }
0x102: {  	s31 =	sadd.s32 s3, s31;
	[tilespmem:s2+$0x16800] =	vst.add.f32.msk $0xffff, v3  }
0x103: {  	[hbm4b:s31+s18] =	stream.strided.scatter [tilespmem:s22], [sflag:$0x4], $0x8000, s19, s18, $0x38;
	[tilespmem:$0x18600] =	vst v63  }
0x104: {  	s0 =	sadd.s32 $0x4, s29  }
0x105: {  	s0 =	sand.u32 $0x3E, s0  }
0x106: {  	s0 =	sadd.s32 s5, s0  }
.Ltmp6:
0x107: {  	s0 =	sshll.u32 s0, $0xB;
	(pc) =	sbr.rel .LBB2_2-.Ltmp6, $4  }
0x108: {  	_ =	swait.ge [sflag:s24], $0x8000;
	s0 =	sor.u32 s30, s0  }
0x109: {  	[sflag:s24] =	ssyncset.done $0x0;
	s0 =	sshrl.u32 s0, $0x3  }
0x10a: {  	s28 =	sadd.s32 $0x1, s28;
	[sflag:s24] =	ssyncadd.s32 $0xFFFF8000;
	s0 =	sadd.s32 s1, s0  }
0x10b: {  	[tilespmem:s20], [sflag:$0x1] =	stream.strided.gather [hbm4b:s0+s18], $0x8000, s19, s18, $0x38;
	[tilespmem:$0x18600] =	vst v63  }
.LBB2_11:
0x10c: {  	_ =	sfence.sel $0x180000  }
0x10d: {  	[bflag:$0x0] =	sbarrier.arrive $0xFFFF  }
0x10e: {  	_ =	strace $0x90000047  }
0x10f: {  	s0 =	stileid.u32;
	[bflag:$0x2] =	sbarrier.arrive $0xFFFF  }
0x110: {  	p0 =	sne.s32 s0, $0x0;
	s0 =	rddreg [dreg:$0x3]  }
0x111: {  	s0 =	sadd.s32 @!p0 $0x100000, s0  }
0x112: {  	[sflag:s0] =	ssyncadd.tile.s32 @!p0 $0x1;
	_ =	shalt  }
.Lfunc_end2:
_tile_overlayer_lowered:
.L_overlay_start_2:
0x113: {  	(tag) =	ssettag $0x2  }
0x114: {  	s0 =	rddreg [dreg:$0x0];
	s2 =	stileid.u32  }
0x115: {  	s1 =	rddreg [dreg:$0x1];
	p0 =	sne.s32 s2, $0x0  }
0x116: {  	s3 =	rddreg [dreg:$0x2];
	[bflag:$0x3] =	sbarrier.arrive $0xFFFF;
	s2 =	simm.s32 @!p0 $0x1C05  }
0x117: {  	[timem:s3], [sflag:s2] =	dma.local @!p0 [hbm:s0], s1  }
0x118: {  	s0 =	simm.s32 @!p0 $0x5  }
0x119: {  	_ =	swait.ge @!p0 [sflag:s0], s1  }
0x11a: {  	s1 =	ssub.s32 @!p0 $0x0, s1;
	[sflag:s0] =	ssyncset.done @!p0 $0x0  }
0x11b: {  	[sflag:s0] =	ssyncadd.s32 @!p0 s1  }
0x11c: {  	[bflag:$0x3] =	sbarrier.arrive $0xFFFF  }
0x11d: {  	_ =	shalt  }

</sc_bundles>
